<compile_context>
chip_gen: v7x
topology: tpu7x:2x2x1
jax: 0.10.2.dev20260603
libtpu: 0.0.44.dev20260713+nightly
codegen_flags: <defaults>
</compile_context>

<pallas_src>
import functools

import jax
import jax.numpy as jnp
from jax import lax
from jax.experimental import pallas as pl
from jax.experimental.pallas import tpu as pltpu
from jax.experimental.pallas import tpu_sc as plsc

B = 16
N = 20000
NP = 20480
T = 30
EVAL_NUM = 6
NMS_THRESHOLD = 2.0
_BIG_I = 2 ** 30
_EPS = 1e-6


def _smooth_l1_elt(d):
    ad = jnp.abs(d)
    return jnp.where(ad < 1.0, 0.5 * d * d, ad - 0.5)


def _tc_body(cx_ref, cy_ref, cls_ref, cen_ref, tgt_ref, f_ref, i_ref):
    cx = cx_ref[:]
    cy = cy_ref[:]
    cls = cls_ref[:]
    cen = cen_ref[:]
    tx = tgt_ref[:, 0:1]
    ty = tgt_ref[:, 1:2]
    lanes = lax.broadcasted_iota(jnp.int32, (B, NP), 1)
    valid = lanes < N

    dx = cx - tx
    dy = cy - ty
    dist = jnp.sqrt(dx * dx + dy * dy + 1e-12)
    dist = jnp.where(valid, dist, jnp.inf)
    sc = jnp.where(valid, cls * cen, -jnp.inf)

    d_cur = dist
    cls_sum = jnp.zeros((B, 1), jnp.float32)
    idx0 = None
    pick0 = None
    dist0 = None
    for k in range(EVAL_NUM):
        m = jnp.min(d_cur, axis=1, keepdims=True)
        j = jnp.min(jnp.where(d_cur == m, lanes, _BIG_I), axis=1, keepdims=True)
        pick = lanes == j
        p = jnp.sum(jnp.where(pick, cls, 0.0), axis=1, keepdims=True)
        p = jnp.clip(p, _EPS, 1.0 - _EPS)
        cls_sum = cls_sum - jnp.log(p)
        if k == 0:
            idx0, pick0, dist0 = j, pick, m
        d_cur = jnp.where(pick, jnp.inf, d_cur)
    class_loss = cls_sum / EVAL_NUM

    px = jnp.sum(jnp.where(pick0, cx, 0.0), axis=1, keepdims=True)
    py = jnp.sum(jnp.where(pick0, cy, 0.0), axis=1, keepdims=True)
    point_loss = 0.5 * (_smooth_l1_elt(px - tx) + _smooth_l1_elt(py - ty))
    cen0 = jnp.sum(jnp.where(pick0, cen, 0.0), axis=1, keepdims=True)
    cgt = jnp.where(dist0 >= 2.0, 0.0, 1.0 - jnp.sqrt(dist0 / 2.0))
    pc = jnp.clip(cen0, _EPS, 1.0 - _EPS)
    centerness_loss = -(cgt * jnp.log(pc) + (1.0 - cgt) * jnp.log(1.0 - pc))
    part_loss = class_loss + point_loss + centerness_loss

    ms = jnp.max(sc, axis=1, keepdims=True)
    bj = jnp.min(jnp.where(sc == ms, lanes, _BIG_I), axis=1, keepdims=True)
    de = jnp.sum(jnp.where(lanes == bj, dist, 0.0), axis=1, keepdims=True)

    sc_cur = sc
    probs = []
    gxs = []
    gys = []
    kidx = []
    for _ in range(EVAL_NUM):
        m = jnp.max(sc_cur, axis=1, keepdims=True)
        j = jnp.min(jnp.where(sc_cur == m, lanes, _BIG_I), axis=1, keepdims=True)
        pick = lanes == j
        cxj = jnp.sum(jnp.where(pick, cx, 0.0), axis=1, keepdims=True)
        cyj = jnp.sum(jnp.where(pick, cy, 0.0), axis=1, keepdims=True)
        probs.append(m)
        gxs.append(cxj)
        gys.append(cyj)
        kidx.append(j)
        ddx = cx - cxj
        ddy = cy - cyj
        dd = jnp.sqrt(ddx * ddx + ddy * ddy + 1e-12)
        sc_cur = jnp.where(dd < NMS_THRESHOLD, -jnp.inf, sc_cur)

    zero = jnp.zeros((B, 1), jnp.float32)
    f_ref[:] = jnp.concatenate(
        [part_loss, de] + probs + gxs + gys + [zero, zero, zero, zero], axis=1)

    brow = lax.broadcasted_iota(jnp.int32, (B, 1), 0) * N
    izero = jnp.zeros((B, 1), jnp.int32)
    i_ref[:] = jnp.concatenate(
        [idx0 + brow] + [j + brow for j in kidx] + [izero] * 9, axis=1)


@functools.cache
def _make_sc_gather():
    mesh = plsc.VectorSubcoreMesh(core_axis_name="c", subcore_axis_name="s")

    @functools.partial(
        pl.kernel,
        mesh=mesh,
        out_type=[
            jax.ShapeDtypeStruct((B, 8, 2 * T), jnp.float32),
            jax.ShapeDtypeStruct((B, 16), jnp.float32),
        ],
        scratch_types=[
            pltpu.VMEM((16,), jnp.int32),
            pltpu.VMEM((8, 2 * T), jnp.float32),
            pltpu.VMEM((64,), jnp.float32),
            pltpu.VMEM((16,), jnp.float32),
            pltpu.SemaphoreType.DMA,
        ],
        compiler_params=pltpu.CompilerParams(use_tc_tiling_on_sc=False),
    )
    def _sc_gather(traj_hbm, gidx_hbm, gt_hbm, rows_hbm, tl_hbm,
                   idx_v, rows_v, gt_v, tl_v, sem):
        c = lax.axis_index("c")
        s = lax.axis_index("s")
        wid = s * 2 + c

        @pl.when(wid < B)
        def _():
            b = wid
            pltpu.sync_copy(gidx_hbm.at[b], idx_v)
            pltpu.sync_copy(gt_hbm.at[b], gt_v)
            ivec = idx_v[...]
            copies = [
                pltpu.async_copy(traj_hbm.at[ivec[i]], rows_v.at[i], sem)
                for i in range(7)
            ]
            for cp in copies:
                cp.wait()
            pltpu.sync_copy(rows_v, rows_hbm.at[b])

            lane = lax.broadcasted_iota(jnp.int32, (16,), 0)
            acc = jnp.zeros((16,), jnp.float32)
            for off, mstart in ((0, 0), (16, 0), (32, 0), (44, 4)):
                d = rows_v[0, pl.ds(off, 16)] - gt_v[pl.ds(off, 16)]
                v = _smooth_l1_elt(d)
                if mstart:
                    v = jnp.where(lane >= mstart, v, 0.0)
                acc = acc + v
            total = acc[0]
            for i in range(1, 16):
                total = total + acc[i]
            tl_v[:] = jnp.zeros((16,), jnp.float32) + total * (1.0 / (2.0 * T))
            pltpu.sync_copy(tl_v, tl_hbm.at[b])

    return _sc_gather


def kernel(outputs_coord, outputs_class, outputs_traj, outputs_centerness,
           gt_points):
    cx = jnp.pad(outputs_coord[..., 0], ((0, 0), (0, NP - N)))
    cy = jnp.pad(outputs_coord[..., 1], ((0, 0), (0, NP - N)))
    cls = jnp.pad(outputs_class, ((0, 0), (0, NP - N)))
    cen = jnp.pad(outputs_centerness, ((0, 0), (0, NP - N)))
    tgt = gt_points[:, -1, :]

    f_out, i_out = pl.pallas_call(
        _tc_body,
        out_shape=[
            jax.ShapeDtypeStruct((B, 24), jnp.float32),
            jax.ShapeDtypeStruct((B, 16), jnp.int32),
        ],
    )(cx, cy, cls, cen, tgt)

    traj_flat = outputs_traj.reshape(B * N, 2 * T)
    gt_flat = jnp.pad(gt_points.reshape(B, 2 * T), ((0, 0), (0, 4)))
    rows, tl = _make_sc_gather()(traj_flat, i_out, gt_flat)

    total_loss = f_out[:, 0] + tl[:, 0]
    de = f_out[:, 1]
    pred_probs = f_out[:, 2:8]
    pred_goals = jnp.stack([f_out[:, 8:14], f_out[:, 14:20]], axis=-1)
    pred_trajs = rows[:, 1:7, :].reshape(B, EVAL_NUM, T, 2)
    return (total_loss, de, pred_goals, pred_probs, pred_trajs)

# --- scband reference (transcript-rebuilt; emitter-appended) ---
"""Pipeline reference for scband-decoder-predict-36782099923051 (READ-ONLY COPY).

The authoritative reference and input builder live on the scoring server;
editing this copy changes nothing except your own understanding.
"""

import jax, jax.numpy as jnp
import numpy as np

NMS_THRESHOLD = 2.0
EVAL_NUM = 6


def _smooth_l1(pred, target):
    d = pred - target
    ad = jnp.abs(d)
    return jnp.mean(jnp.where(ad < 1.0, 0.5 * d * d, ad - 0.5))


def _bce(p, t):
    eps = 1e-6
    p = jnp.clip(p, eps, 1.0 - eps)
    return jnp.mean(-(t * jnp.log(p) + (1.0 - t) * jnp.log(1.0 - p)))


def setup_inputs(seed: int = 0) -> dict:
    key = jax.random.key(seed)
    ks = jax.random.split(key, 5)
    B, N, T = 16, 20000, 30
    outputs_coord = jax.random.normal(ks[0], (B, N, 2), dtype=jnp.float32)
    outputs_class = jax.random.uniform(ks[1], (B, N), dtype=jnp.float32)
    outputs_traj = jax.random.normal(ks[2], (B, N, T, 2), dtype=jnp.float32)
    outputs_centerness = jax.random.uniform(ks[3], (B, N), dtype=jnp.float32)
    gt_points = jax.random.normal(ks[4], (B, T, 2), dtype=jnp.float32)
    return {
        "outputs_coord": outputs_coord,
        "outputs_class": outputs_class,
        "outputs_traj": outputs_traj,
        "outputs_centerness": outputs_centerness,
        "gt_points": gt_points,
    }


def reference(outputs_coord, outputs_class, outputs_traj, outputs_centerness, gt_points):
    B, N, _ = outputs_coord.shape
    b = jnp.arange(B)
    target_point = gt_points[:, -1, :]  # [B,2]

    # ---- SetCriterion: distance to GT endpoint, centerness GT, argmin matching ----
    diff = outputs_coord - target_point[:, None, :]
    dist = jnp.sqrt(jnp.sum(diff * diff, axis=-1) + 1e-12)  # [B,N]
    centerness_gt = jnp.where(dist >= 2.0, 0.0, 1.0 - jnp.sqrt(dist / 2.0))
    idx = jnp.argmin(dist, axis=1)  # [B]

    predict_traj = outputs_traj[b, idx]          # [B,T,2]
    predict_points = outputs_coord[b, idx]       # [B,2]
    predict_centerness = outputs_centerness[b, idx]  # [B]

    # class loss: positive_num=6 nearest candidates supervised toward 1 (points_class = ones(6))
    _, top_idx = jax.lax.top_k(-dist, 6)  # [B,6]
    predict_class = jnp.take_along_axis(outputs_class, top_idx, axis=1)
    class_loss = jax.vmap(_bce)(predict_class, jnp.ones_like(predict_class))

    traj_loss = jax.vmap(_smooth_l1)(predict_traj, gt_points)
    target_centerness = jax.lax.stop_gradient(centerness_gt[b, idx])  # .detach()
    centerness_loss = jax.vmap(_bce)(predict_centerness[:, None], target_centerness[:, None])
    point_loss = jax.vmap(_smooth_l1)(predict_points, target_point)

    total_loss = traj_loss + class_loss + point_loss + centerness_loss  # [B]

    # ---- DE: displacement error of highest class*centerness candidate ----
    score = outputs_class * outputs_centerness  # [B,N]
    best = jnp.argmax(score, axis=1)
    DE = dist[b, best]  # [B]

    # ---- goals_NMS: greedy NMS with radius threshold, keep eval_num goals ----
    def nms_one(coord, sc):
        def body(i, state):
            sc_cur, kept_idx, kept_sc = state
            j = jnp.argmax(sc_cur)
            kept_idx = kept_idx.at[i].set(j.astype(jnp.int32))
            kept_sc = kept_sc.at[i].set(sc_cur[j])
            d = jnp.sqrt(jnp.sum((coord - coord[j]) ** 2, axis=-1) + 1e-12)
            sc_cur = jnp.where(d < NMS_THRESHOLD, -jnp.inf, sc_cur)
            return (sc_cur, kept_idx, kept_sc)

        init = (sc, jnp.zeros((EVAL_NUM,), jnp.int32), jnp.zeros((EVAL_NUM,), sc.dtype))
        _, kidx, ksc = jax.lax.fori_loop(0, EVAL_NUM, body, init)
        return kidx, ksc

    kidx, pred_probs = jax.vmap(nms_one)(outputs_coord, score)  # [B,6]
    pred_goals = outputs_coord[b[:, None], kidx]                 # [B,6,2]
    pred_trajs = outputs_traj[b[:, None], kidx]                  # [B,6,T,2]

    return (total_loss, DE, pred_goals, pred_probs, pred_trajs)

if __name__ == "__main__":
    import jax
    _d = setup_inputs()
    print(jax.jit(kernel)(*tuple(_d.values())))

</pallas_src>

<mosaic_0001>
#map = affine_map<(d0, d1) -> (0, 0)>
#map1 = affine_map<(d0, d1) -> (0, 0, 0)>
module attributes {stable_mosaic.version = 14 : i64} {
  func.func @_sc_gather(%arg0: i32, %arg1: i32, %arg2: memref<320000x60xf32, #tpu.memory_space<hbm>>, %arg3: memref<16x16xi32, #tpu.memory_space<hbm>>, %arg4: memref<16x64xf32, #tpu.memory_space<hbm>>, %arg5: memref<16x8x60xf32, #tpu.memory_space<hbm>>, %arg6: memref<16x16xf32, #tpu.memory_space<hbm>>, %arg7: memref<16xi32, #tpu.memory_space<vmem>>, %arg8: memref<8x60xf32, #tpu.memory_space<vmem>>, %arg9: memref<64xf32, #tpu.memory_space<vmem>>, %arg10: memref<16xf32, #tpu.memory_space<vmem>>, %arg11: memref<!tpu.dma_semaphore, #tpu.memory_space<semaphore_mem>>) attributes {dimension_semantics = [#tpu.dimension_semantics<core_parallel>, #tpu.dimension_semantics<subcore_parallel>], iteration_bounds = array<i64: 2, 16>, scalar_prefetch = 0 : i64, scratch_operands = 5 : i64, tpu.core_type = #tpu.core_type<sc_vector_subcore>, window_params = [{transform_indices = #map}, {transform_indices = #map}, {transform_indices = #map}, {transform_indices = #map1}, {transform_indices = #map}]} {
    %mul3A = arith.constant 2 : i32
    %mul3A_0 = arith.muli %arg1, %mul3A : i32
    %add3A = arith.addi %mul3A_0, %arg0 : i32
    %lt3A = arith.constant 16 : i32
    %lt3A_1 = arith.cmpi slt, %add3A, %lt3A : i32
    %convert_element_type3A = arith.extui %lt3A_1 : i1 to i32
    %cond3A = arith.constant 0 : i32
    %cond3A_2 = arith.cmpi ne, %convert_element_type3A, %cond3A : i32
    scf.if %cond3A_2 {
      "tpu.region"() ({
        %run_scoped3A = tpu.sem_alloc : memref<!tpu.dma_semaphore, #tpu.memory_space<semaphore_mem>>
        %dma_start3A_343 = arith.constant 0 : i32
        %dma_start3A_344 = tpu.memref_slice %arg3[%add3A, %dma_start3A_343] : memref<16x16xi32, #tpu.memory_space<hbm>> -> memref<1x16xi32, #tpu.memory_space<hbm>>
        %dma_start3A_345 = tpu.memref_squeeze %dma_start3A_344 : memref<1x16xi32, #tpu.memory_space<hbm>> -> memref<16xi32, #tpu.memory_space<hbm>>
        %dma_start3A_346 = arith.constant 0 : i32
        %dma_start3A_347 = tpu.memref_slice %arg3[%add3A, %dma_start3A_346] : memref<16x16xi32, #tpu.memory_space<hbm>> -> memref<1x16xi32, #tpu.memory_space<hbm>>
        %dma_start3A_348 = tpu.memref_squeeze %dma_start3A_347 : memref<1x16xi32, #tpu.memory_space<hbm>> -> memref<16xi32, #tpu.memory_space<hbm>>
        tpu.enqueue_dma source(%dma_start3A_348 : memref<16xi32, #tpu.memory_space<hbm>>) target(%arg7 : memref<16xi32, #tpu.memory_space<vmem>>) target_semaphore(%run_scoped3A : memref<!tpu.dma_semaphore, #tpu.memory_space<semaphore_mem>>)
        %dma_wait3A_349 = arith.constant 0 : i32
        %dma_wait3A_350 = tpu.memref_slice %arg3[%add3A, %dma_wait3A_349] : memref<16x16xi32, #tpu.memory_space<hbm>> -> memref<1x16xi32, #tpu.memory_space<hbm>>
        %dma_wait3A_351 = tpu.memref_squeeze %dma_wait3A_350 : memref<1x16xi32, #tpu.memory_space<hbm>> -> memref<16xi32, #tpu.memory_space<hbm>>
        %dma_wait3A_352 = arith.constant 0 : i32
        %dma_wait3A_353 = tpu.memref_slice %arg3[%add3A, %dma_wait3A_352] : memref<16x16xi32, #tpu.memory_space<hbm>> -> memref<1x16xi32, #tpu.memory_space<hbm>>
        %dma_wait3A_354 = tpu.memref_squeeze %dma_wait3A_353 : memref<1x16xi32, #tpu.memory_space<hbm>> -> memref<16xi32, #tpu.memory_space<hbm>>
        tpu.wait_dma2 semaphore(%run_scoped3A : memref<!tpu.dma_semaphore, #tpu.memory_space<semaphore_mem>>) src(%dma_wait3A_354 : memref<16xi32, #tpu.memory_space<hbm>>) dst(%arg7 : memref<16xi32, #tpu.memory_space<vmem>>)
        tpu.yield
      }) : () -> ()
      "tpu.region"() ({
        %run_scoped3A = tpu.sem_alloc : memref<!tpu.dma_semaphore, #tpu.memory_space<semaphore_mem>>
        %dma_start3A_343 = arith.constant 0 : i32
        %dma_start3A_344 = tpu.memref_slice %arg4[%add3A, %dma_start3A_343] : memref<16x64xf32, #tpu.memory_space<hbm>> -> memref<1x64xf32, #tpu.memory_space<hbm>>
        %dma_start3A_345 = tpu.memref_squeeze %dma_start3A_344 : memref<1x64xf32, #tpu.memory_space<hbm>> -> memref<64xf32, #tpu.memory_space<hbm>>
        %dma_start3A_346 = arith.constant 0 : i32
        %dma_start3A_347 = tpu.memref_slice %arg4[%add3A, %dma_start3A_346] : memref<16x64xf32, #tpu.memory_space<hbm>> -> memref<1x64xf32, #tpu.memory_space<hbm>>
        %dma_start3A_348 = tpu.memref_squeeze %dma_start3A_347 : memref<1x64xf32, #tpu.memory_space<hbm>> -> memref<64xf32, #tpu.memory_space<hbm>>
        tpu.enqueue_dma source(%dma_start3A_348 : memref<64xf32, #tpu.memory_space<hbm>>) target(%arg9 : memref<64xf32, #tpu.memory_space<vmem>>) target_semaphore(%run_scoped3A : memref<!tpu.dma_semaphore, #tpu.memory_space<semaphore_mem>>)
        %dma_wait3A_349 = arith.constant 0 : i32
        %dma_wait3A_350 = tpu.memref_slice %arg4[%add3A, %dma_wait3A_349] : memref<16x64xf32, #tpu.memory_space<hbm>> -> memref<1x64xf32, #tpu.memory_space<hbm>>
        %dma_wait3A_351 = tpu.memref_squeeze %dma_wait3A_350 : memref<1x64xf32, #tpu.memory_space<hbm>> -> memref<64xf32, #tpu.memory_space<hbm>>
        %dma_wait3A_352 = arith.constant 0 : i32
        %dma_wait3A_353 = tpu.memref_slice %arg4[%add3A, %dma_wait3A_352] : memref<16x64xf32, #tpu.memory_space<hbm>> -> memref<1x64xf32, #tpu.memory_space<hbm>>
        %dma_wait3A_354 = tpu.memref_squeeze %dma_wait3A_353 : memref<1x64xf32, #tpu.memory_space<hbm>> -> memref<64xf32, #tpu.memory_space<hbm>>
        tpu.wait_dma2 semaphore(%run_scoped3A : memref<!tpu.dma_semaphore, #tpu.memory_space<semaphore_mem>>) src(%dma_wait3A_354 : memref<64xf32, #tpu.memory_space<hbm>>) dst(%arg9 : memref<64xf32, #tpu.memory_space<vmem>>)
        tpu.yield
      }) : () -> ()
      %get3A = arith.constant 0 : index
      %get3A_3 = tpu.vector_load %arg7[%get3A] {strides = array<i32>} : memref<16xi32, #tpu.memory_space<vmem>>, vector<16xi32>,
      %get3A_4 = vector.shape_cast %get3A_3 : vector<16xi32> to vector<16xi32>
      %slice3A = vector.extract_strided_slice %get3A_4 {offsets = [0], sizes = [1], strides = [1]} : vector<16xi32> to vector<1xi32>
      %squeeze3A = vector.extract %slice3A[0] : i32 from vector<1xi32>
      %dma_start3A = arith.constant 0 : i32
      %dma_start3A_5 = arith.constant 0 : i32
      %dma_start3A_6 = tpu.memref_slice %arg8[%dma_start3A, %dma_start3A_5] : memref<8x60xf32, #tpu.memory_space<vmem>> -> memref<1x60xf32, #tpu.memory_space<vmem>>
      %dma_start3A_7 = tpu.memref_squeeze %dma_start3A_6 : memref<1x60xf32, #tpu.memory_space<vmem>> -> memref<60xf32, #tpu.memory_space<vmem>>
      %dma_start3A_8 = arith.constant 0 : i32
      %dma_start3A_9 = tpu.memref_slice %arg2[%squeeze3A, %dma_start3A_8] : memref<320000x60xf32, #tpu.memory_space<hbm>> -> memref<1x60xf32, #tpu.memory_space<hbm>>
      %dma_start3A_10 = tpu.memref_squeeze %dma_start3A_9 : memref<1x60xf32, #tpu.memory_space<hbm>> -> memref<60xf32, #tpu.memory_space<hbm>>
      %dma_start3A_11 = arith.constant 0 : i32
      %dma_start3A_12 = tpu.memref_slice %arg8[%dma_start3A, %dma_start3A_11] : memref<8x60xf32, #tpu.memory_space<vmem>> -> memref<1x60xf32, #tpu.memory_space<vmem>>
      %dma_start3A_13 = tpu.memref_squeeze %dma_start3A_12 : memref<1x60xf32, #tpu.memory_space<vmem>> -> memref<60xf32, #tpu.memory_space<vmem>>
      %dma_start3A_14 = arith.constant 0 : i32
      %dma_start3A_15 = tpu.memref_slice %arg2[%squeeze3A, %dma_start3A_14] : memref<320000x60xf32, #tpu.memory_space<hbm>> -> memref<1x60xf32, #tpu.memory_space<hbm>>
      %dma_start3A_16 = tpu.memref_squeeze %dma_start3A_15 : memref<1x60xf32, #tpu.memory_space<hbm>> -> memref<60xf32, #tpu.memory_space<hbm>>
      tpu.enqueue_dma source(%dma_start3A_16 : memref<60xf32, #tpu.memory_space<hbm>>) target(%dma_start3A_13 : memref<60xf32, #tpu.memory_space<vmem>>) target_semaphore(%arg11 : memref<!tpu.dma_semaphore, #tpu.memory_space<semaphore_mem>>)
      %slice3A_17 = vector.extract_strided_slice %get3A_4 {offsets = [1], sizes = [1], strides = [1]} : vector<16xi32> to vector<1xi32>
      %squeeze3A_18 = vector.extract %slice3A_17[0] : i32 from vector<1xi32>
      %dma_start3A_19 = arith.constant 1 : i32
      %dma_start3A_20 = arith.constant 0 : i32
      %dma_start3A_21 = tpu.memref_slice %arg8[%dma_start3A_19, %dma_start3A_20] : memref<8x60xf32, #tpu.memory_space<vmem>> -> memref<1x60xf32, #tpu.memory_space<vmem>>
      %dma_start3A_22 = tpu.memref_squeeze %dma_start3A_21 : memref<1x60xf32, #tpu.memory_space<vmem>> -> memref<60xf32, #tpu.memory_space<vmem>>
      %dma_start3A_23 = arith.constant 0 : i32
      %dma_start3A_24 = tpu.memref_slice %arg2[%squeeze3A_18, %dma_start3A_23] : memref<320000x60xf32, #tpu.memory_space<hbm>> -> memref<1x60xf32, #tpu.memory_space<hbm>>
      %dma_start3A_25 = tpu.memref_squeeze %dma_start3A_24 : memref<1x60xf32, #tpu.memory_space<hbm>> -> memref<60xf32, #tpu.memory_space<hbm>>
      %dma_start3A_26 = arith.constant 0 : i32
      %dma_start3A_27 = tpu.memref_slice %arg8[%dma_start3A_19, %dma_start3A_26] : memref<8x60xf32, #tpu.memory_space<vmem>> -> memref<1x60xf32, #tpu.memory_space<vmem>>
      %dma_start3A_28 = tpu.memref_squeeze %dma_start3A_27 : memref<1x60xf32, #tpu.memory_space<vmem>> -> memref<60xf32, #tpu.memory_space<vmem>>
      %dma_start3A_29 = arith.constant 0 : i32
      %dma_start3A_30 = tpu.memref_slice %arg2[%squeeze3A_18, %dma_start3A_29] : memref<320000x60xf32, #tpu.memory_space<hbm>> -> memref<1x60xf32, #tpu.memory_space<hbm>>
      %dma_start3A_31 = tpu.memref_squeeze %dma_start3A_30 : memref<1x60xf32, #tpu.memory_space<hbm>> -> memref<60xf32, #tpu.memory_space<hbm>>
      tpu.enqueue_dma source(%dma_start3A_31 : memref<60xf32, #tpu.memory_space<hbm>>) target(%dma_start3A_28 : memref<60xf32, #tpu.memory_space<vmem>>) target_semaphore(%arg11 : memref<!tpu.dma_semaphore, #tpu.memory_space<semaphore_mem>>)
      %slice3A_32 = vector.extract_strided_slice %get3A_4 {offsets = [2], sizes = [1], strides = [1]} : vector<16xi32> to vector<1xi32>
      %squeeze3A_33 = vector.extract %slice3A_32[0] : i32 from vector<1xi32>
      %dma_start3A_34 = arith.constant 2 : i32
      %dma_start3A_35 = arith.constant 0 : i32
      %dma_start3A_36 = tpu.memref_slice %arg8[%dma_start3A_34, %dma_start3A_35] : memref<8x60xf32, #tpu.memory_space<vmem>> -> memref<1x60xf32, #tpu.memory_space<vmem>>
      %dma_start3A_37 = tpu.memref_squeeze %dma_start3A_36 : memref<1x60xf32, #tpu.memory_space<vmem>> -> memref<60xf32, #tpu.memory_space<vmem>>
      %dma_start3A_38 = arith.constant 0 : i32
      %dma_start3A_39 = tpu.memref_slice %arg2[%squeeze3A_33, %dma_start3A_38] : memref<320000x60xf32, #tpu.memory_space<hbm>> -> memref<1x60xf32, #tpu.memory_space<hbm>>
      %dma_start3A_40 = tpu.memref_squeeze %dma_start3A_39 : memref<1x60xf32, #tpu.memory_space<hbm>> -> memref<60xf32, #tpu.memory_space<hbm>>
      %dma_start3A_41 = arith.constant 0 : i32
      %dma_start3A_42 = tpu.memref_slice %arg8[%dma_start3A_34, %dma_start3A_41] : memref<8x60xf32, #tpu.memory_space<vmem>> -> memref<1x60xf32, #tpu.memory_space<vmem>>
      %dma_start3A_43 = tpu.memref_squeeze %dma_start3A_42 : memref<1x60xf32, #tpu.memory_space<vmem>> -> memref<60xf32, #tpu.memory_space<vmem>>
      %dma_start3A_44 = arith.constant 0 : i32
      %dma_start3A_45 = tpu.memref_slice %arg2[%squeeze3A_33, %dma_start3A_44] : memref<320000x60xf32, #tpu.memory_space<hbm>> -> memref<1x60xf32, #tpu.memory_space<hbm>>
      %dma_start3A_46 = tpu.memref_squeeze %dma_start3A_45 : memref<1x60xf32, #tpu.memory_space<hbm>> -> memref<60xf32, #tpu.memory_space<hbm>>
      tpu.enqueue_dma source(%dma_start3A_46 : memref<60xf32, #tpu.memory_space<hbm>>) target(%dma_start3A_43 : memref<60xf32, #tpu.memory_space<vmem>>) target_semaphore(%arg11 : memref<!tpu.dma_semaphore, #tpu.memory_space<semaphore_mem>>)
      %slice3A_47 = vector.extract_strided_slice %get3A_4 {offsets = [3], sizes = [1], strides = [1]} : vector<16xi32> to vector<1xi32>
      %squeeze3A_48 = vector.extract %slice3A_47[0] : i32 from vector<1xi32>
      %dma_start3A_49 = arith.constant 3 : i32
      %dma_start3A_50 = arith.constant 0 : i32
      %dma_start3A_51 = tpu.memref_slice %arg8[%dma_start3A_49, %dma_start3A_50] : memref<8x60xf32, #tpu.memory_space<vmem>> -> memref<1x60xf32, #tpu.memory_space<vmem>>
      %dma_start3A_52 = tpu.memref_squeeze %dma_start3A_51 : memref<1x60xf32, #tpu.memory_space<vmem>> -> memref<60xf32, #tpu.memory_space<vmem>>
      %dma_start3A_53 = arith.constant 0 : i32
      %dma_start3A_54 = tpu.memref_slice %arg2[%squeeze3A_48, %dma_start3A_53] : memref<320000x60xf32, #tpu.memory_space<hbm>> -> memref<1x60xf32, #tpu.memory_space<hbm>>
      %dma_start3A_55 = tpu.memref_squeeze %dma_start3A_54 : memref<1x60xf32, #tpu.memory_space<hbm>> -> memref<60xf32, #tpu.memory_space<hbm>>
      %dma_start3A_56 = arith.constant 0 : i32
      %dma_start3A_57 = tpu.memref_slice %arg8[%dma_start3A_49, %dma_start3A_56] : memref<8x60xf32, #tpu.memory_space<vmem>> -> memref<1x60xf32, #tpu.memory_space<vmem>>
      %dma_start3A_58 = tpu.memref_squeeze %dma_start3A_57 : memref<1x60xf32, #tpu.memory_space<vmem>> -> memref<60xf32, #tpu.memory_space<vmem>>
      %dma_start3A_59 = arith.constant 0 : i32
      %dma_start3A_60 = tpu.memref_slice %arg2[%squeeze3A_48, %dma_start3A_59] : memref<320000x60xf32, #tpu.memory_space<hbm>> -> memref<1x60xf32, #tpu.memory_space<hbm>>
      %dma_start3A_61 = tpu.memref_squeeze %dma_start3A_60 : memref<1x60xf32, #tpu.memory_space<hbm>> -> memref<60xf32, #tpu.memory_space<hbm>>
      tpu.enqueue_dma source(%dma_start3A_61 : memref<60xf32, #tpu.memory_space<hbm>>) target(%dma_start3A_58 : memref<60xf32, #tpu.memory_space<vmem>>) target_semaphore(%arg11 : memref<!tpu.dma_semaphore, #tpu.memory_space<semaphore_mem>>)
      %slice3A_62 = vector.extract_strided_slice %get3A_4 {offsets = [4], sizes = [1], strides = [1]} : vector<16xi32> to vector<1xi32>
      %squeeze3A_63 = vector.extract %slice3A_62[0] : i32 from vector<1xi32>
      %dma_start3A_64 = arith.constant 4 : i32
      %dma_start3A_65 = arith.constant 0 : i32
      %dma_start3A_66 = tpu.memref_slice %arg8[%dma_start3A_64, %dma_start3A_65] : memref<8x60xf32, #tpu.memory_space<vmem>> -> memref<1x60xf32, #tpu.memory_space<vmem>>
      %dma_start3A_67 = tpu.memref_squeeze %dma_start3A_66 : memref<1x60xf32, #tpu.memory_space<vmem>> -> memref<60xf32, #tpu.memory_space<vmem>>
      %dma_start3A_68 = arith.constant 0 : i32
      %dma_start3A_69 = tpu.memref_slice %arg2[%squeeze3A_63, %dma_start3A_68] : memref<320000x60xf32, #tpu.memory_space<hbm>> -> memref<1x60xf32, #tpu.memory_space<hbm>>
      %dma_start3A_70 = tpu.memref_squeeze %dma_start3A_69 : memref<1x60xf32, #tpu.memory_space<hbm>> -> memref<60xf32, #tpu.memory_space<hbm>>
      %dma_start3A_71 = arith.constant 0 : i32
      %dma_start3A_72 = tpu.memref_slice %arg8[%dma_start3A_64, %dma_start3A_71] : memref<8x60xf32, #tpu.memory_space<vmem>> -> memref<1x60xf32, #tpu.memory_space<vmem>>
      %dma_start3A_73 = tpu.memref_squeeze %dma_start3A_72 : memref<1x60xf32, #tpu.memory_space<vmem>> -> memref<60xf32, #tpu.memory_space<vmem>>
      %dma_start3A_74 = arith.constant 0 : i32
      %dma_start3A_75 = tpu.memref_slice %arg2[%squeeze3A_63, %dma_start3A_74] : memref<320000x60xf32, #tpu.memory_space<hbm>> -> memref<1x60xf32, #tpu.memory_space<hbm>>
      %dma_start3A_76 = tpu.memref_squeeze %dma_start3A_75 : memref<1x60xf32, #tpu.memory_space<hbm>> -> memref<60xf32, #tpu.memory_space<hbm>>
      tpu.enqueue_dma source(%dma_start3A_76 : memref<60xf32, #tpu.memory_space<hbm>>) target(%dma_start3A_73 : memref<60xf32, #tpu.memory_space<vmem>>) target_semaphore(%arg11 : memref<!tpu.dma_semaphore, #tpu.memory_space<semaphore_mem>>)
      %slice3A_77 = vector.extract_strided_slice %get3A_4 {offsets = [5], sizes = [1], strides = [1]} : vector<16xi32> to vector<1xi32>
      %squeeze3A_78 = vector.extract %slice3A_77[0] : i32 from vector<1xi32>
      %dma_start3A_79 = arith.constant 5 : i32
      %dma_start3A_80 = arith.constant 0 : i32
      %dma_start3A_81 = tpu.memref_slice %arg8[%dma_start3A_79, %dma_start3A_80] : memref<8x60xf32, #tpu.memory_space<vmem>> -> memref<1x60xf32, #tpu.memory_space<vmem>>
      %dma_start3A_82 = tpu.memref_squeeze %dma_start3A_81 : memref<1x60xf32, #tpu.memory_space<vmem>> -> memref<60xf32, #tpu.memory_space<vmem>>
      %dma_start3A_83 = arith.constant 0 : i32
      %dma_start3A_84 = tpu.memref_slice %arg2[%squeeze3A_78, %dma_start3A_83] : memref<320000x60xf32, #tpu.memory_space<hbm>> -> memref<1x60xf32, #tpu.memory_space<hbm>>
      %dma_start3A_85 = tpu.memref_squeeze %dma_start3A_84 : memref<1x60xf32, #tpu.memory_space<hbm>> -> memref<60xf32, #tpu.memory_space<hbm>>
      %dma_start3A_86 = arith.constant 0 : i32
      %dma_start3A_87 = tpu.memref_slice %arg8[%dma_start3A_79, %dma_start3A_86] : memref<8x60xf32, #tpu.memory_space<vmem>> -> memref<1x60xf32, #tpu.memory_space<vmem>>
      %dma_start3A_88 = tpu.memref_squeeze %dma_start3A_87 : memref<1x60xf32, #tpu.memory_space<vmem>> -> memref<60xf32, #tpu.memory_space<vmem>>
      %dma_start3A_89 = arith.constant 0 : i32
      %dma_start3A_90 = tpu.memref_slice %arg2[%squeeze3A_78, %dma_start3A_89] : memref<320000x60xf32, #tpu.memory_space<hbm>> -> memref<1x60xf32, #tpu.memory_space<hbm>>
      %dma_start3A_91 = tpu.memref_squeeze %dma_start3A_90 : memref<1x60xf32, #tpu.memory_space<hbm>> -> memref<60xf32, #tpu.memory_space<hbm>>
      tpu.enqueue_dma source(%dma_start3A_91 : memref<60xf32, #tpu.memory_space<hbm>>) target(%dma_start3A_88 : memref<60xf32, #tpu.memory_space<vmem>>) target_semaphore(%arg11 : memref<!tpu.dma_semaphore, #tpu.memory_space<semaphore_mem>>)
      %slice3A_92 = vector.extract_strided_slice %get3A_4 {offsets = [6], sizes = [1], strides = [1]} : vector<16xi32> to vector<1xi32>
      %squeeze3A_93 = vector.extract %slice3A_92[0] : i32 from vector<1xi32>
      %dma_start3A_94 = arith.constant 6 : i32
      %dma_start3A_95 = arith.constant 0 : i32
      %dma_start3A_96 = tpu.memref_slice %arg8[%dma_start3A_94, %dma_start3A_95] : memref<8x60xf32, #tpu.memory_space<vmem>> -> memref<1x60xf32, #tpu.memory_space<vmem>>
      %dma_start3A_97 = tpu.memref_squeeze %dma_start3A_96 : memref<1x60xf32, #tpu.memory_space<vmem>> -> memref<60xf32, #tpu.memory_space<vmem>>
      %dma_start3A_98 = arith.constant 0 : i32
      %dma_start3A_99 = tpu.memref_slice %arg2[%squeeze3A_93, %dma_start3A_98] : memref<320000x60xf32, #tpu.memory_space<hbm>> -> memref<1x60xf32, #tpu.memory_space<hbm>>
      %dma_start3A_100 = tpu.memref_squeeze %dma_start3A_99 : memref<1x60xf32, #tpu.memory_space<hbm>> -> memref<60xf32, #tpu.memory_space<hbm>>
      %dma_start3A_101 = arith.constant 0 : i32
      %dma_start3A_102 = tpu.memref_slice %arg8[%dma_start3A_94, %dma_start3A_101] : memref<8x60xf32, #tpu.memory_space<vmem>> -> memref<1x60xf32, #tpu.memory_space<vmem>>
      %dma_start3A_103 = tpu.memref_squeeze %dma_start3A_102 : memref<1x60xf32, #tpu.memory_space<vmem>> -> memref<60xf32, #tpu.memory_space<vmem>>
      %dma_start3A_104 = arith.constant 0 : i32
      %dma_start3A_105 = tpu.memref_slice %arg2[%squeeze3A_93, %dma_start3A_104] : memref<320000x60xf32, #tpu.memory_space<hbm>> -> memref<1x60xf32, #tpu.memory_space<hbm>>
      %dma_start3A_106 = tpu.memref_squeeze %dma_start3A_105 : memref<1x60xf32, #tpu.memory_space<hbm>> -> memref<60xf32, #tpu.memory_space<hbm>>
      tpu.enqueue_dma source(%dma_start3A_106 : memref<60xf32, #tpu.memory_space<hbm>>) target(%dma_start3A_103 : memref<60xf32, #tpu.memory_space<vmem>>) target_semaphore(%arg11 : memref<!tpu.dma_semaphore, #tpu.memory_space<semaphore_mem>>)
      %dma_wait3A = arith.constant 0 : i32
      %dma_wait3A_107 = arith.constant 0 : i32
      %dma_wait3A_108 = tpu.memref_slice %arg8[%dma_wait3A, %dma_wait3A_107] : memref<8x60xf32, #tpu.memory_space<vmem>> -> memref<1x60xf32, #tpu.memory_space<vmem>>
      %dma_wait3A_109 = tpu.memref_squeeze %dma_wait3A_108 : memref<1x60xf32, #tpu.memory_space<vmem>> -> memref<60xf32, #tpu.memory_space<vmem>>
      %dma_wait3A_110 = arith.constant 0 : i32
      %dma_wait3A_111 = tpu.memref_slice %arg2[%squeeze3A, %dma_wait3A_110] : memref<320000x60xf32, #tpu.memory_space<hbm>> -> memref<1x60xf32, #tpu.memory_space<hbm>>
      %dma_wait3A_112 = tpu.memref_squeeze %dma_wait3A_111 : memref<1x60xf32, #tpu.memory_space<hbm>> -> memref<60xf32, #tpu.memory_space<hbm>>
      %dma_wait3A_113 = arith.constant 0 : i32
      %dma_wait3A_114 = tpu.memref_slice %arg8[%dma_wait3A, %dma_wait3A_113] : memref<8x60xf32, #tpu.memory_space<vmem>> -> memref<1x60xf32, #tpu.memory_space<vmem>>
      %dma_wait3A_115 = tpu.memref_squeeze %dma_wait3A_114 : memref<1x60xf32, #tpu.memory_space<vmem>> -> memref<60xf32, #tpu.memory_space<vmem>>
      %dma_wait3A_116 = arith.constant 0 : i32
      %dma_wait3A_117 = tpu.memref_slice %arg2[%squeeze3A, %dma_wait3A_116] : memref<320000x60xf32, #tpu.memory_space<hbm>> -> memref<1x60xf32, #tpu.memory_space<hbm>>
      %dma_wait3A_118 = tpu.memref_squeeze %dma_wait3A_117 : memref<1x60xf32, #tpu.memory_space<hbm>> -> memref<60xf32, #tpu.memory_space<hbm>>
      tpu.wait_dma2 semaphore(%arg11 : memref<!tpu.dma_semaphore, #tpu.memory_space<semaphore_mem>>) src(%dma_wait3A_118 : memref<60xf32, #tpu.memory_space<hbm>>) dst(%dma_wait3A_115 : memref<60xf32, #tpu.memory_space<vmem>>)
      %dma_wait3A_119 = arith.constant 1 : i32
      %dma_wait3A_120 = arith.constant 0 : i32
      %dma_wait3A_121 = tpu.memref_slice %arg8[%dma_wait3A_119, %dma_wait3A_120] : memref<8x60xf32, #tpu.memory_space<vmem>> -> memref<1x60xf32, #tpu.memory_space<vmem>>
      %dma_wait3A_122 = tpu.memref_squeeze %dma_wait3A_121 : memref<1x60xf32, #tpu.memory_space<vmem>> -> memref<60xf32, #tpu.memory_space<vmem>>
      %dma_wait3A_123 = arith.constant 0 : i32
      %dma_wait3A_124 = tpu.memref_slice %arg2[%squeeze3A_18, %dma_wait3A_123] : memref<320000x60xf32, #tpu.memory_space<hbm>> -> memref<1x60xf32, #tpu.memory_space<hbm>>
      %dma_wait3A_125 = tpu.memref_squeeze %dma_wait3A_124 : memref<1x60xf32, #tpu.memory_space<hbm>> -> memref<60xf32, #tpu.memory_space<hbm>>
      %dma_wait3A_126 = arith.constant 0 : i32
      %dma_wait3A_127 = tpu.memref_slice %arg8[%dma_wait3A_119, %dma_wait3A_126] : memref<8x60xf32, #tpu.memory_space<vmem>> -> memref<1x60xf32, #tpu.memory_space<vmem>>
      %dma_wait3A_128 = tpu.memref_squeeze %dma_wait3A_127 : memref<1x60xf32, #tpu.memory_space<vmem>> -> memref<60xf32, #tpu.memory_space<vmem>>
      %dma_wait3A_129 = arith.constant 0 : i32
      %dma_wait3A_130 = tpu.memref_slice %arg2[%squeeze3A_18, %dma_wait3A_129] : memref<320000x60xf32, #tpu.memory_space<hbm>> -> memref<1x60xf32, #tpu.memory_space<hbm>>
      %dma_wait3A_131 = tpu.memref_squeeze %dma_wait3A_130 : memref<1x60xf32, #tpu.memory_space<hbm>> -> memref<60xf32, #tpu.memory_space<hbm>>
      tpu.wait_dma2 semaphore(%arg11 : memref<!tpu.dma_semaphore, #tpu.memory_space<semaphore_mem>>) src(%dma_wait3A_131 : memref<60xf32, #tpu.memory_space<hbm>>) dst(%dma_wait3A_128 : memref<60xf32, #tpu.memory_space<vmem>>)
      %dma_wait3A_132 = arith.constant 2 : i32
      %dma_wait3A_133 = arith.constant 0 : i32
      %dma_wait3A_134 = tpu.memref_slice %arg8[%dma_wait3A_132, %dma_wait3A_133] : memref<8x60xf32, #tpu.memory_space<vmem>> -> memref<1x60xf32, #tpu.memory_space<vmem>>
      %dma_wait3A_135 = tpu.memref_squeeze %dma_wait3A_134 : memref<1x60xf32, #tpu.memory_space<vmem>> -> memref<60xf32, #tpu.memory_space<vmem>>
      %dma_wait3A_136 = arith.constant 0 : i32
      %dma_wait3A_137 = tpu.memref_slice %arg2[%squeeze3A_33, %dma_wait3A_136] : memref<320000x60xf32, #tpu.memory_space<hbm>> -> memref<1x60xf32, #tpu.memory_space<hbm>>
      %dma_wait3A_138 = tpu.memref_squeeze %dma_wait3A_137 : memref<1x60xf32, #tpu.memory_space<hbm>> -> memref<60xf32, #tpu.memory_space<hbm>>
      %dma_wait3A_139 = arith.constant 0 : i32
      %dma_wait3A_140 = tpu.memref_slice %arg8[%dma_wait3A_132, %dma_wait3A_139] : memref<8x60xf32, #tpu.memory_space<vmem>> -> memref<1x60xf32, #tpu.memory_space<vmem>>
      %dma_wait3A_141 = tpu.memref_squeeze %dma_wait3A_140 : memref<1x60xf32, #tpu.memory_space<vmem>> -> memref<60xf32, #tpu.memory_space<vmem>>
      %dma_wait3A_142 = arith.constant 0 : i32
      %dma_wait3A_143 = tpu.memref_slice %arg2[%squeeze3A_33, %dma_wait3A_142] : memref<320000x60xf32, #tpu.memory_space<hbm>> -> memref<1x60xf32, #tpu.memory_space<hbm>>
      %dma_wait3A_144 = tpu.memref_squeeze %dma_wait3A_143 : memref<1x60xf32, #tpu.memory_space<hbm>> -> memref<60xf32, #tpu.memory_space<hbm>>
      tpu.wait_dma2 semaphore(%arg11 : memref<!tpu.dma_semaphore, #tpu.memory_space<semaphore_mem>>) src(%dma_wait3A_144 : memref<60xf32, #tpu.memory_space<hbm>>) dst(%dma_wait3A_141 : memref<60xf32, #tpu.memory_space<vmem>>)
      %dma_wait3A_145 = arith.constant 3 : i32
      %dma_wait3A_146 = arith.constant 0 : i32
      %dma_wait3A_147 = tpu.memref_slice %arg8[%dma_wait3A_145, %dma_wait3A_146] : memref<8x60xf32, #tpu.memory_space<vmem>> -> memref<1x60xf32, #tpu.memory_space<vmem>>
      %dma_wait3A_148 = tpu.memref_squeeze %dma_wait3A_147 : memref<1x60xf32, #tpu.memory_space<vmem>> -> memref<60xf32, #tpu.memory_space<vmem>>
      %dma_wait3A_149 = arith.constant 0 : i32
      %dma_wait3A_150 = tpu.memref_slice %arg2[%squeeze3A_48, %dma_wait3A_149] : memref<320000x60xf32, #tpu.memory_space<hbm>> -> memref<1x60xf32, #tpu.memory_space<hbm>>
      %dma_wait3A_151 = tpu.memref_squeeze %dma_wait3A_150 : memref<1x60xf32, #tpu.memory_space<hbm>> -> memref<60xf32, #tpu.memory_space<hbm>>
      %dma_wait3A_152 = arith.constant 0 : i32
      %dma_wait3A_153 = tpu.memref_slice %arg8[%dma_wait3A_145, %dma_wait3A_152] : memref<8x60xf32, #tpu.memory_space<vmem>> -> memref<1x60xf32, #tpu.memory_space<vmem>>
      %dma_wait3A_154 = tpu.memref_squeeze %dma_wait3A_153 : memref<1x60xf32, #tpu.memory_space<vmem>> -> memref<60xf32, #tpu.memory_space<vmem>>
      %dma_wait3A_155 = arith.constant 0 : i32
      %dma_wait3A_156 = tpu.memref_slice %arg2[%squeeze3A_48, %dma_wait3A_155] : memref<320000x60xf32, #tpu.memory_space<hbm>> -> memref<1x60xf32, #tpu.memory_space<hbm>>
      %dma_wait3A_157 = tpu.memref_squeeze %dma_wait3A_156 : memref<1x60xf32, #tpu.memory_space<hbm>> -> memref<60xf32, #tpu.memory_space<hbm>>
      tpu.wait_dma2 semaphore(%arg11 : memref<!tpu.dma_semaphore, #tpu.memory_space<semaphore_mem>>) src(%dma_wait3A_157 : memref<60xf32, #tpu.memory_space<hbm>>) dst(%dma_wait3A_154 : memref<60xf32, #tpu.memory_space<vmem>>)
      %dma_wait3A_158 = arith.constant 4 : i32
      %dma_wait3A_159 = arith.constant 0 : i32
      %dma_wait3A_160 = tpu.memref_slice %arg8[%dma_wait3A_158, %dma_wait3A_159] : memref<8x60xf32, #tpu.memory_space<vmem>> -> memref<1x60xf32, #tpu.memory_space<vmem>>
      %dma_wait3A_161 = tpu.memref_squeeze %dma_wait3A_160 : memref<1x60xf32, #tpu.memory_space<vmem>> -> memref<60xf32, #tpu.memory_space<vmem>>
      %dma_wait3A_162 = arith.constant 0 : i32
      %dma_wait3A_163 = tpu.memref_slice %arg2[%squeeze3A_63, %dma_wait3A_162] : memref<320000x60xf32, #tpu.memory_space<hbm>> -> memref<1x60xf32, #tpu.memory_space<hbm>>
      %dma_wait3A_164 = tpu.memref_squeeze %dma_wait3A_163 : memref<1x60xf32, #tpu.memory_space<hbm>> -> memref<60xf32, #tpu.memory_space<hbm>>
      %dma_wait3A_165 = arith.constant 0 : i32
      %dma_wait3A_166 = tpu.memref_slice %arg8[%dma_wait3A_158, %dma_wait3A_165] : memref<8x60xf32, #tpu.memory_space<vmem>> -> memref<1x60xf32, #tpu.memory_space<vmem>>
      %dma_wait3A_167 = tpu.memref_squeeze %dma_wait3A_166 : memref<1x60xf32, #tpu.memory_space<vmem>> -> memref<60xf32, #tpu.memory_space<vmem>>
      %dma_wait3A_168 = arith.constant 0 : i32
      %dma_wait3A_169 = tpu.memref_slice %arg2[%squeeze3A_63, %dma_wait3A_168] : memref<320000x60xf32, #tpu.memory_space<hbm>> -> memref<1x60xf32, #tpu.memory_space<hbm>>
      %dma_wait3A_170 = tpu.memref_squeeze %dma_wait3A_169 : memref<1x60xf32, #tpu.memory_space<hbm>> -> memref<60xf32, #tpu.memory_space<hbm>>
      tpu.wait_dma2 semaphore(%arg11 : memref<!tpu.dma_semaphore, #tpu.memory_space<semaphore_mem>>) src(%dma_wait3A_170 : memref<60xf32, #tpu.memory_space<hbm>>) dst(%dma_wait3A_167 : memref<60xf32, #tpu.memory_space<vmem>>)
      %dma_wait3A_171 = arith.constant 5 : i32
      %dma_wait3A_172 = arith.constant 0 : i32
      %dma_wait3A_173 = tpu.memref_slice %arg8[%dma_wait3A_171, %dma_wait3A_172] : memref<8x60xf32, #tpu.memory_space<vmem>> -> memref<1x60xf32, #tpu.memory_space<vmem>>
      %dma_wait3A_174 = tpu.memref_squeeze %dma_wait3A_173 : memref<1x60xf32, #tpu.memory_space<vmem>> -> memref<60xf32, #tpu.memory_space<vmem>>
      %dma_wait3A_175 = arith.constant 0 : i32
      %dma_wait3A_176 = tpu.memref_slice %arg2[%squeeze3A_78, %dma_wait3A_175] : memref<320000x60xf32, #tpu.memory_space<hbm>> -> memref<1x60xf32, #tpu.memory_space<hbm>>
      %dma_wait3A_177 = tpu.memref_squeeze %dma_wait3A_176 : memref<1x60xf32, #tpu.memory_space<hbm>> -> memref<60xf32, #tpu.memory_space<hbm>>
      %dma_wait3A_178 = arith.constant 0 : i32
      %dma_wait3A_179 = tpu.memref_slice %arg8[%dma_wait3A_171, %dma_wait3A_178] : memref<8x60xf32, #tpu.memory_space<vmem>> -> memref<1x60xf32, #tpu.memory_space<vmem>>
      %dma_wait3A_180 = tpu.memref_squeeze %dma_wait3A_179 : memref<1x60xf32, #tpu.memory_space<vmem>> -> memref<60xf32, #tpu.memory_space<vmem>>
      %dma_wait3A_181 = arith.constant 0 : i32
      %dma_wait3A_182 = tpu.memref_slice %arg2[%squeeze3A_78, %dma_wait3A_181] : memref<320000x60xf32, #tpu.memory_space<hbm>> -> memref<1x60xf32, #tpu.memory_space<hbm>>
      %dma_wait3A_183 = tpu.memref_squeeze %dma_wait3A_182 : memref<1x60xf32, #tpu.memory_space<hbm>> -> memref<60xf32, #tpu.memory_space<hbm>>
      tpu.wait_dma2 semaphore(%arg11 : memref<!tpu.dma_semaphore, #tpu.memory_space<semaphore_mem>>) src(%dma_wait3A_183 : memref<60xf32, #tpu.memory_space<hbm>>) dst(%dma_wait3A_180 : memref<60xf32, #tpu.memory_space<vmem>>)
      %dma_wait3A_184 = arith.constant 6 : i32
      %dma_wait3A_185 = arith.constant 0 : i32
      %dma_wait3A_186 = tpu.memref_slice %arg8[%dma_wait3A_184, %dma_wait3A_185] : memref<8x60xf32, #tpu.memory_space<vmem>> -> memref<1x60xf32, #tpu.memory_space<vmem>>
      %dma_wait3A_187 = tpu.memref_squeeze %dma_wait3A_186 : memref<1x60xf32, #tpu.memory_space<vmem>> -> memref<60xf32, #tpu.memory_space<vmem>>
      %dma_wait3A_188 = arith.constant 0 : i32
      %dma_wait3A_189 = tpu.memref_slice %arg2[%squeeze3A_93, %dma_wait3A_188] : memref<320000x60xf32, #tpu.memory_space<hbm>> -> memref<1x60xf32, #tpu.memory_space<hbm>>
      %dma_wait3A_190 = tpu.memref_squeeze %dma_wait3A_189 : memref<1x60xf32, #tpu.memory_space<hbm>> -> memref<60xf32, #tpu.memory_space<hbm>>
      %dma_wait3A_191 = arith.constant 0 : i32
      %dma_wait3A_192 = tpu.memref_slice %arg8[%dma_wait3A_184, %dma_wait3A_191] : memref<8x60xf32, #tpu.memory_space<vmem>> -> memref<1x60xf32, #tpu.memory_space<vmem>>
      %dma_wait3A_193 = tpu.memref_squeeze %dma_wait3A_192 : memref<1x60xf32, #tpu.memory_space<vmem>> -> memref<60xf32, #tpu.memory_space<vmem>>
      %dma_wait3A_194 = arith.constant 0 : i32
      %dma_wait3A_195 = tpu.memref_slice %arg2[%squeeze3A_93, %dma_wait3A_194] : memref<320000x60xf32, #tpu.memory_space<hbm>> -> memref<1x60xf32, #tpu.memory_space<hbm>>
      %dma_wait3A_196 = tpu.memref_squeeze %dma_wait3A_195 : memref<1x60xf32, #tpu.memory_space<hbm>> -> memref<60xf32, #tpu.memory_space<hbm>>
      tpu.wait_dma2 semaphore(%arg11 : memref<!tpu.dma_semaphore, #tpu.memory_space<semaphore_mem>>) src(%dma_wait3A_196 : memref<60xf32, #tpu.memory_space<hbm>>) dst(%dma_wait3A_193 : memref<60xf32, #tpu.memory_space<vmem>>)
      "tpu.region"() ({
        %run_scoped3A = tpu.sem_alloc : memref<!tpu.dma_semaphore, #tpu.memory_space<semaphore_mem>>
        %dma_start3A_343 = arith.constant 0 : i32
        %dma_start3A_344 = arith.constant 0 : i32
        %dma_start3A_345 = tpu.memref_slice %arg5[%add3A, %dma_start3A_343, %dma_start3A_344] : memref<16x8x60xf32, #tpu.memory_space<hbm>> -> memref<1x8x60xf32, #tpu.memory_space<hbm>>
        %dma_start3A_346 = tpu.memref_squeeze %dma_start3A_345 : memref<1x8x60xf32, #tpu.memory_space<hbm>> -> memref<8x60xf32, #tpu.memory_space<hbm>>
        %dma_start3A_347 = arith.constant 0 : i32
        %dma_start3A_348 = arith.constant 0 : i32
        %dma_start3A_349 = tpu.memref_slice %arg5[%add3A, %dma_start3A_347, %dma_start3A_348] : memref<16x8x60xf32, #tpu.memory_space<hbm>> -> memref<1x8x60xf32, #tpu.memory_space<hbm>>
        %dma_start3A_350 = tpu.memref_squeeze %dma_start3A_349 : memref<1x8x60xf32, #tpu.memory_space<hbm>> -> memref<8x60xf32, #tpu.memory_space<hbm>>
        tpu.enqueue_dma source(%arg8 : memref<8x60xf32, #tpu.memory_space<vmem>>) target(%dma_start3A_350 : memref<8x60xf32, #tpu.memory_space<hbm>>) target_semaphore(%run_scoped3A : memref<!tpu.dma_semaphore, #tpu.memory_space<semaphore_mem>>)
        %dma_wait3A_351 = arith.constant 0 : i32
        %dma_wait3A_352 = arith.constant 0 : i32
        %dma_wait3A_353 = tpu.memref_slice %arg5[%add3A, %dma_wait3A_351, %dma_wait3A_352] : memref<16x8x60xf32, #tpu.memory_space<hbm>> -> memref<1x8x60xf32, #tpu.memory_space<hbm>>
        %dma_wait3A_354 = tpu.memref_squeeze %dma_wait3A_353 : memref<1x8x60xf32, #tpu.memory_space<hbm>> -> memref<8x60xf32, #tpu.memory_space<hbm>>
        %dma_wait3A_355 = arith.constant 0 : i32
        %dma_wait3A_356 = arith.constant 0 : i32
        %dma_wait3A_357 = tpu.memref_slice %arg5[%add3A, %dma_wait3A_355, %dma_wait3A_356] : memref<16x8x60xf32, #tpu.memory_space<hbm>> -> memref<1x8x60xf32, #tpu.memory_space<hbm>>
        %dma_wait3A_358 = tpu.memref_squeeze %dma_wait3A_357 : memref<1x8x60xf32, #tpu.memory_space<hbm>> -> memref<8x60xf32, #tpu.memory_space<hbm>>
        tpu.wait_dma2 semaphore(%run_scoped3A : memref<!tpu.dma_semaphore, #tpu.memory_space<semaphore_mem>>) src(%arg8 : memref<8x60xf32, #tpu.memory_space<vmem>>) dst(%dma_wait3A_358 : memref<8x60xf32, #tpu.memory_space<hbm>>)
        tpu.yield
      }) : () -> ()
      %iota3A = tpu.iota {dimensions = array<i32: 0>} : vector<16xi32>
      %broadcast_in_dim3A = arith.constant 0.000000e+00 : f32
      %broadcast_in_dim3A_197 = vector.broadcast %broadcast_in_dim3A : f32 to vector<16xf32>
      %get3A_198 = arith.constant 0 : i32
      %get3A_199 = arith.index_cast %get3A_198 : i32 to index
      %get3A_200 = arith.constant 0 : index
      %get3A_201 = tpu.vector_load %arg8[%get3A_199, %get3A_200] {strides = array<i32>} : memref<8x60xf32, #tpu.memory_space<vmem>>, vector<1x16xf32>,
      %get3A_202 = vector.shape_cast %get3A_201 : vector<1x16xf32> to vector<16xf32>
      %get3A_203 = arith.constant 0 : index
      %get3A_204 = tpu.vector_load %arg9[%get3A_203] {strides = array<i32>} : memref<64xf32, #tpu.memory_space<vmem>>, vector<16xf32>,
      %get3A_205 = vector.shape_cast %get3A_204 : vector<16xf32> to vector<16xf32>
      %sub3A = arith.subf %get3A_202, %get3A_205 : vector<16xf32>
      %abs3A = math.absf %sub3A : vector<16xf32>
      %lt3A_206 = arith.constant 1.000000e+00 : f32
      %lt3A_207 = vector.broadcast %lt3A_206 : f32 to vector<16xf32>
      %lt3A_208 = arith.cmpf olt, %abs3A, %lt3A_207 : vector<16xf32>
      %mul3A_209 = arith.constant 5.000000e-01 : f32
      %mul3A_210 = vector.broadcast %mul3A_209 : f32 to vector<16xf32>
      %mul3A_211 = arith.mulf %mul3A_210, %sub3A : vector<16xf32>
      %mul3A_212 = arith.mulf %mul3A_211, %sub3A : vector<16xf32>
      %sub3A_213 = arith.constant 5.000000e-01 : f32
      %sub3A_214 = vector.broadcast %sub3A_213 : f32 to vector<16xf32>
      %sub3A_215 = arith.subf %abs3A, %sub3A_214 : vector<16xf32>
      %select_n3A = arith.select %lt3A_208, %mul3A_212, %sub3A_215 : vector<16xi1>, vector<16xf32>
      %add3A_216 = arith.addf %broadcast_in_dim3A_197, %select_n3A : vector<16xf32>
      %get3A_217 = arith.constant 0 : i32
      %get3A_218 = arith.index_cast %get3A_217 : i32 to index
      %get3A_219 = arith.constant 16 : index
      %get3A_220 = tpu.vector_load %arg8[%get3A_218, %get3A_219] {strides = array<i32>} : memref<8x60xf32, #tpu.memory_space<vmem>>, vector<1x16xf32>,
      %get3A_221 = vector.shape_cast %get3A_220 : vector<1x16xf32> to vector<16xf32>
      %get3A_222 = arith.constant 16 : index
      %get3A_223 = tpu.vector_load %arg9[%get3A_222] {strides = array<i32>} : memref<64xf32, #tpu.memory_space<vmem>>, vector<16xf32>,
      %get3A_224 = vector.shape_cast %get3A_223 : vector<16xf32> to vector<16xf32>
      %sub3A_225 = arith.subf %get3A_221, %get3A_224 : vector<16xf32>
      %abs3A_226 = math.absf %sub3A_225 : vector<16xf32>
      %lt3A_227 = arith.constant 1.000000e+00 : f32
      %lt3A_228 = vector.broadcast %lt3A_227 : f32 to vector<16xf32>
      %lt3A_229 = arith.cmpf olt, %abs3A_226, %lt3A_228 : vector<16xf32>
      %mul3A_230 = arith.constant 5.000000e-01 : f32
      %mul3A_231 = vector.broadcast %mul3A_230 : f32 to vector<16xf32>
      %mul3A_232 = arith.mulf %mul3A_231, %sub3A_225 : vector<16xf32>
      %mul3A_233 = arith.mulf %mul3A_232, %sub3A_225 : vector<16xf32>
      %sub3A_234 = arith.constant 5.000000e-01 : f32
      %sub3A_235 = vector.broadcast %sub3A_234 : f32 to vector<16xf32>
      %sub3A_236 = arith.subf %abs3A_226, %sub3A_235 : vector<16xf32>
      %select_n3A_237 = arith.select %lt3A_229, %mul3A_233, %sub3A_236 : vector<16xi1>, vector<16xf32>
      %add3A_238 = arith.addf %add3A_216, %select_n3A_237 : vector<16xf32>
      %get3A_239 = arith.constant 0 : i32
      %get3A_240 = arith.index_cast %get3A_239 : i32 to index
      %get3A_241 = arith.constant 32 : index
      %get3A_242 = tpu.vector_load %arg8[%get3A_240, %get3A_241] {strides = array<i32>} : memref<8x60xf32, #tpu.memory_space<vmem>>, vector<1x16xf32>,
      %get3A_243 = vector.shape_cast %get3A_242 : vector<1x16xf32> to vector<16xf32>
      %get3A_244 = arith.constant 32 : index
      %get3A_245 = tpu.vector_load %arg9[%get3A_244] {strides = array<i32>} : memref<64xf32, #tpu.memory_space<vmem>>, vector<16xf32>,
      %get3A_246 = vector.shape_cast %get3A_245 : vector<16xf32> to vector<16xf32>
      %sub3A_247 = arith.subf %get3A_243, %get3A_246 : vector<16xf32>
      %abs3A_248 = math.absf %sub3A_247 : vector<16xf32>
      %lt3A_249 = arith.constant 1.000000e+00 : f32
      %lt3A_250 = vector.broadcast %lt3A_249 : f32 to vector<16xf32>
      %lt3A_251 = arith.cmpf olt, %abs3A_248, %lt3A_250 : vector<16xf32>
      %mul3A_252 = arith.constant 5.000000e-01 : f32
      %mul3A_253 = vector.broadcast %mul3A_252 : f32 to vector<16xf32>
      %mul3A_254 = arith.mulf %mul3A_253, %sub3A_247 : vector<16xf32>
      %mul3A_255 = arith.mulf %mul3A_254, %sub3A_247 : vector<16xf32>
      %sub3A_256 = arith.constant 5.000000e-01 : f32
      %sub3A_257 = vector.broadcast %sub3A_256 : f32 to vector<16xf32>
      %sub3A_258 = arith.subf %abs3A_248, %sub3A_257 : vector<16xf32>
      %select_n3A_259 = arith.select %lt3A_251, %mul3A_255, %sub3A_258 : vector<16xi1>, vector<16xf32>
      %add3A_260 = arith.addf %add3A_238, %select_n3A_259 : vector<16xf32>
      %get3A_261 = arith.constant 0 : i32
      %get3A_262 = arith.index_cast %get3A_261 : i32 to index
      %get3A_263 = arith.constant 44 : index
      %get3A_264 = tpu.vector_load %arg8[%get3A_262, %get3A_263] {strides = array<i32>} : memref<8x60xf32, #tpu.memory_space<vmem>>, vector<1x16xf32>,
      %get3A_265 = vector.shape_cast %get3A_264 : vector<1x16xf32> to vector<16xf32>
      %get3A_266 = arith.constant 44 : index
      %get3A_267 = tpu.vector_load %arg9[%get3A_266] {strides = array<i32>} : memref<64xf32, #tpu.memory_space<vmem>>, vector<16xf32>,
      %get3A_268 = vector.shape_cast %get3A_267 : vector<16xf32> to vector<16xf32>
      %sub3A_269 = arith.subf %get3A_265, %get3A_268 : vector<16xf32>
      %abs3A_270 = math.absf %sub3A_269 : vector<16xf32>
      %lt3A_271 = arith.constant 1.000000e+00 : f32
      %lt3A_272 = vector.broadcast %lt3A_271 : f32 to vector<16xf32>
      %lt3A_273 = arith.cmpf olt, %abs3A_270, %lt3A_272 : vector<16xf32>
      %mul3A_274 = arith.constant 5.000000e-01 : f32
      %mul3A_275 = vector.broadcast %mul3A_274 : f32 to vector<16xf32>
      %mul3A_276 = arith.mulf %mul3A_275, %sub3A_269 : vector<16xf32>
      %mul3A_277 = arith.mulf %mul3A_276, %sub3A_269 : vector<16xf32>
      %sub3A_278 = arith.constant 5.000000e-01 : f32
      %sub3A_279 = vector.broadcast %sub3A_278 : f32 to vector<16xf32>
      %sub3A_280 = arith.subf %abs3A_270, %sub3A_279 : vector<16xf32>
      %select_n3A_281 = arith.select %lt3A_273, %mul3A_277, %sub3A_280 : vector<16xi1>, vector<16xf32>
      %ge3A = arith.constant 4 : i32
      %ge3A_282 = vector.broadcast %ge3A : i32 to vector<16xi32>
      %ge3A_283 = arith.cmpi sge, %iota3A, %ge3A_282 : vector<16xi32>
      %jit3A = arith.constant 0.000000e+00 : f32
      %broadcast_in_dim3A_284 = vector.broadcast %jit3A : f32 to vector<16xf32>
      %select_n3A_285 = arith.select %ge3A_283, %select_n3A_281, %broadcast_in_dim3A_284 : vector<16xi1>, vector<16xf32>
      %add3A_286 = arith.addf %add3A_260, %select_n3A_285 : vector<16xf32>
      %slice3A_287 = vector.extract_strided_slice %add3A_286 {offsets = [0], sizes = [1], strides = [1]} : vector<16xf32> to vector<1xf32>
      %squeeze3A_288 = vector.extract %slice3A_287[0] : f32 from vector<1xf32>
      %slice3A_289 = vector.extract_strided_slice %add3A_286 {offsets = [1], sizes = [1], strides = [1]} : vector<16xf32> to vector<1xf32>
      %squeeze3A_290 = vector.extract %slice3A_289[0] : f32 from vector<1xf32>
      %add3A_291 = arith.addf %squeeze3A_288, %squeeze3A_290 : f32
      %slice3A_292 = vector.extract_strided_slice %add3A_286 {offsets = [2], sizes = [1], strides = [1]} : vector<16xf32> to vector<1xf32>
      %squeeze3A_293 = vector.extract %slice3A_292[0] : f32 from vector<1xf32>
      %add3A_294 = arith.addf %add3A_291, %squeeze3A_293 : f32
      %slice3A_295 = vector.extract_strided_slice %add3A_286 {offsets = [3], sizes = [1], strides = [1]} : vector<16xf32> to vector<1xf32>
      %squeeze3A_296 = vector.extract %slice3A_295[0] : f32 from vector<1xf32>
      %add3A_297 = arith.addf %add3A_294, %squeeze3A_296 : f32
      %slice3A_298 = vector.extract_strided_slice %add3A_286 {offsets = [4], sizes = [1], strides = [1]} : vector<16xf32> to vector<1xf32>
      %squeeze3A_299 = vector.extract %slice3A_298[0] : f32 from vector<1xf32>
      %add3A_300 = arith.addf %add3A_297, %squeeze3A_299 : f32
      %slice3A_301 = vector.extract_strided_slice %add3A_286 {offsets = [5], sizes = [1], strides = [1]} : vector<16xf32> to vector<1xf32>
      %squeeze3A_302 = vector.extract %slice3A_301[0] : f32 from vector<1xf32>
      %add3A_303 = arith.addf %add3A_300, %squeeze3A_302 : f32
      %slice3A_304 = vector.extract_strided_slice %add3A_286 {offsets = [6], sizes = [1], strides = [1]} : vector<16xf32> to vector<1xf32>
      %squeeze3A_305 = vector.extract %slice3A_304[0] : f32 from vector<1xf32>
      %add3A_306 = arith.addf %add3A_303, %squeeze3A_305 : f32
      %slice3A_307 = vector.extract_strided_slice %add3A_286 {offsets = [7], sizes = [1], strides = [1]} : vector<16xf32> to vector<1xf32>
      %squeeze3A_308 = vector.extract %slice3A_307[0] : f32 from vector<1xf32>
      %add3A_309 = arith.addf %add3A_306, %squeeze3A_308 : f32
      %slice3A_310 = vector.extract_strided_slice %add3A_286 {offsets = [8], sizes = [1], strides = [1]} : vector<16xf32> to vector<1xf32>
      %squeeze3A_311 = vector.extract %slice3A_310[0] : f32 from vector<1xf32>
      %add3A_312 = arith.addf %add3A_309, %squeeze3A_311 : f32
      %slice3A_313 = vector.extract_strided_slice %add3A_286 {offsets = [9], sizes = [1], strides = [1]} : vector<16xf32> to vector<1xf32>
      %squeeze3A_314 = vector.extract %slice3A_313[0] : f32 from vector<1xf32>
      %add3A_315 = arith.addf %add3A_312, %squeeze3A_314 : f32
      %slice3A_316 = vector.extract_strided_slice %add3A_286 {offsets = [10], sizes = [1], strides = [1]} : vector<16xf32> to vector<1xf32>
      %squeeze3A_317 = vector.extract %slice3A_316[0] : f32 from vector<1xf32>
      %add3A_318 = arith.addf %add3A_315, %squeeze3A_317 : f32
      %slice3A_319 = vector.extract_strided_slice %add3A_286 {offsets = [11], sizes = [1], strides = [1]} : vector<16xf32> to vector<1xf32>
      %squeeze3A_320 = vector.extract %slice3A_319[0] : f32 from vector<1xf32>
      %add3A_321 = arith.addf %add3A_318, %squeeze3A_320 : f32
      %slice3A_322 = vector.extract_strided_slice %add3A_286 {offsets = [12], sizes = [1], strides = [1]} : vector<16xf32> to vector<1xf32>
      %squeeze3A_323 = vector.extract %slice3A_322[0] : f32 from vector<1xf32>
      %add3A_324 = arith.addf %add3A_321, %squeeze3A_323 : f32
      %slice3A_325 = vector.extract_strided_slice %add3A_286 {offsets = [13], sizes = [1], strides = [1]} : vector<16xf32> to vector<1xf32>
      %squeeze3A_326 = vector.extract %slice3A_325[0] : f32 from vector<1xf32>
      %add3A_327 = arith.addf %add3A_324, %squeeze3A_326 : f32
      %slice3A_328 = vector.extract_strided_slice %add3A_286 {offsets = [14], sizes = [1], strides = [1]} : vector<16xf32> to vector<1xf32>
      %squeeze3A_329 = vector.extract %slice3A_328[0] : f32 from vector<1xf32>
      %add3A_330 = arith.addf %add3A_327, %squeeze3A_329 : f32
      %slice3A_331 = vector.extract_strided_slice %add3A_286 {offsets = [15], sizes = [1], strides = [1]} : vector<16xf32> to vector<1xf32>
      %squeeze3A_332 = vector.extract %slice3A_331[0] : f32 from vector<1xf32>
      %add3A_333 = arith.addf %add3A_330, %squeeze3A_332 : f32
      %broadcast_in_dim3A_334 = arith.constant 0.000000e+00 : f32
      %broadcast_in_dim3A_335 = vector.broadcast %broadcast_in_dim3A_334 : f32 to vector<16xf32>
      %mul3A_336 = arith.constant 0.0166666675 : f32
      %mul3A_337 = arith.mulf %add3A_333, %mul3A_336 : f32
      %add3A_338 = vector.broadcast %mul3A_337 : f32 to vector<16xf32>
      %add3A_339 = arith.addf %broadcast_in_dim3A_335, %add3A_338 : vector<16xf32>
      %swap3A = arith.constant 0 : index
      %swap3A_340 = tpu.vector_load %arg10[%swap3A] {strides = array<i32>} : memref<16xf32, #tpu.memory_space<vmem>>, vector<16xf32>,
      %swap3A_341 = vector.shape_cast %swap3A_340 : vector<16xf32> to vector<16xf32>
      %swap3A_342 = vector.shape_cast %add3A_339 : vector<16xf32> to vector<16xf32>
      tpu.vector_store %arg10[%swap3A], %swap3A_342 {strides = array<i32>} : memref<16xf32, #tpu.memory_space<vmem>>, vector<16xf32>,
      "tpu.region"() ({
        %run_scoped3A = tpu.sem_alloc : memref<!tpu.dma_semaphore, #tpu.memory_space<semaphore_mem>>
        %dma_start3A_343 = arith.constant 0 : i32
        %dma_start3A_344 = tpu.memref_slice %arg6[%add3A, %dma_start3A_343] : memref<16x16xf32, #tpu.memory_space<hbm>> -> memref<1x16xf32, #tpu.memory_space<hbm>>
        %dma_start3A_345 = tpu.memref_squeeze %dma_start3A_344 : memref<1x16xf32, #tpu.memory_space<hbm>> -> memref<16xf32, #tpu.memory_space<hbm>>
        %dma_start3A_346 = arith.constant 0 : i32
        %dma_start3A_347 = tpu.memref_slice %arg6[%add3A, %dma_start3A_346] : memref<16x16xf32, #tpu.memory_space<hbm>> -> memref<1x16xf32, #tpu.memory_space<hbm>>
        %dma_start3A_348 = tpu.memref_squeeze %dma_start3A_347 : memref<1x16xf32, #tpu.memory_space<hbm>> -> memref<16xf32, #tpu.memory_space<hbm>>
        tpu.enqueue_dma source(%arg10 : memref<16xf32, #tpu.memory_space<vmem>>) target(%dma_start3A_348 : memref<16xf32, #tpu.memory_space<hbm>>) target_semaphore(%run_scoped3A : memref<!tpu.dma_semaphore, #tpu.memory_space<semaphore_mem>>)
        %dma_wait3A_349 = arith.constant 0 : i32
        %dma_wait3A_350 = tpu.memref_slice %arg6[%add3A, %dma_wait3A_349] : memref<16x16xf32, #tpu.memory_space<hbm>> -> memref<1x16xf32, #tpu.memory_space<hbm>>
        %dma_wait3A_351 = tpu.memref_squeeze %dma_wait3A_350 : memref<1x16xf32, #tpu.memory_space<hbm>> -> memref<16xf32, #tpu.memory_space<hbm>>
        %dma_wait3A_352 = arith.constant 0 : i32
        %dma_wait3A_353 = tpu.memref_slice %arg6[%add3A, %dma_wait3A_352] : memref<16x16xf32, #tpu.memory_space<hbm>> -> memref<1x16xf32, #tpu.memory_space<hbm>>
        %dma_wait3A_354 = tpu.memref_squeeze %dma_wait3A_353 : memref<1x16xf32, #tpu.memory_space<hbm>> -> memref<16xf32, #tpu.memory_space<hbm>>
        tpu.wait_dma2 semaphore(%run_scoped3A : memref<!tpu.dma_semaphore, #tpu.memory_space<semaphore_mem>>) src(%arg10 : memref<16xf32, #tpu.memory_space<vmem>>) dst(%dma_wait3A_354 : memref<16xf32, #tpu.memory_space<hbm>>)
        tpu.yield
      }) : () -> ()
    } else {
    }
    return
  }
}

module attributes {stable_mosaic.version = 14 : i64} {
  func.func @_tc_body(%arg0: memref<16x20480xf32, #tpu.memory_space<vmem>>, %arg1: memref<16x20480xf32, #tpu.memory_space<vmem>>, %arg2: memref<16x20480xf32, #tpu.memory_space<vmem>>, %arg3: memref<16x20480xf32, #tpu.memory_space<vmem>>, %arg4: memref<16x2xf32, #tpu.memory_space<vmem>>, %arg5: memref<16x24xf32, #tpu.memory_space<vmem>>, %arg6: memref<16x16xi32, #tpu.memory_space<vmem>>) attributes {dimension_semantics = [], scalar_prefetch = 0 : i64, scratch_operands = 0 : i64, tpu.core_type = #tpu.core_type<tc>} {
    %get3A = arith.constant 0 : index
    %get3A_0 = arith.constant 0 : index
    %get3A_1 = vector.load %arg0[%get3A, %get3A_0] : memref<16x20480xf32, #tpu.memory_space<vmem>>, vector<16x20480xf32>
    %get3A_2 = arith.constant 0 : index
    %get3A_3 = arith.constant 0 : index
    %get3A_4 = vector.load %arg1[%get3A_2, %get3A_3] : memref<16x20480xf32, #tpu.memory_space<vmem>>, vector<16x20480xf32>
    %get3A_5 = arith.constant 0 : index
    %get3A_6 = arith.constant 0 : index
    %get3A_7 = vector.load %arg2[%get3A_5, %get3A_6] : memref<16x20480xf32, #tpu.memory_space<vmem>>, vector<16x20480xf32>
    %get3A_8 = arith.constant 0 : index
    %get3A_9 = arith.constant 0 : index
    %get3A_10 = vector.load %arg3[%get3A_8, %get3A_9] : memref<16x20480xf32, #tpu.memory_space<vmem>>, vector<16x20480xf32>
    %get3A_11 = arith.constant 0 : index
    %get3A_12 = arith.constant 0 : index
    %get3A_13 = vector.load %arg4[%get3A_11, %get3A_12] : memref<16x2xf32, #tpu.memory_space<vmem>>, vector<16x1xf32>
    %get3A_14 = arith.constant 0 : index
    %get3A_15 = arith.constant 1 : index
    %get3A_16 = vector.load %arg4[%get3A_14, %get3A_15] : memref<16x2xf32, #tpu.memory_space<vmem>>, vector<16x1xf32>
    %iota3A = tpu.iota {dimensions = array<i32: 1>} : vector<16x20480xi32>
    %lt3A = arith.constant 20000 : i32
    %lt3A_17 = vector.broadcast %lt3A : i32 to vector<16x20480xi32>
    %lt3A_18 = arith.cmpi slt, %iota3A, %lt3A_17 : vector<16x20480xi32>
    %sub3A = vector.broadcast %get3A_13 : vector<16x1xf32> to vector<16x20480xf32>
    %sub3A_19 = arith.subf %get3A_1, %sub3A : vector<16x20480xf32>
    %sub3A_20 = vector.broadcast %get3A_16 : vector<16x1xf32> to vector<16x20480xf32>
    %sub3A_21 = arith.subf %get3A_4, %sub3A_20 : vector<16x20480xf32>
    %mul3A = arith.mulf %sub3A_19, %sub3A_19 : vector<16x20480xf32>
    %mul3A_22 = arith.mulf %sub3A_21, %sub3A_21 : vector<16x20480xf32>
    %add3A = arith.addf %mul3A, %mul3A_22 : vector<16x20480xf32>
    %add3A_23 = arith.constant 9.99999996E-13 : f32
    %add3A_24 = vector.broadcast %add3A_23 : f32 to vector<16x20480xf32>
    %add3A_25 = arith.addf %add3A, %add3A_24 : vector<16x20480xf32>
    %sqrt3A = math.sqrt %add3A_25 : vector<16x20480xf32>
    %jit3A = arith.constant 0x7F800000 : f32
    %broadcast_in_dim3A = vector.broadcast %jit3A : f32 to vector<16x20480xf32>
    %select_n3A = arith.select %lt3A_18, %sqrt3A, %broadcast_in_dim3A : vector<16x20480xi1>, vector<16x20480xf32>
    %mul3A_26 = arith.mulf %get3A_7, %get3A_10 : vector<16x20480xf32>
    %jit3A_27 = arith.constant 0xFF800000 : f32
    %broadcast_in_dim3A_28 = vector.broadcast %jit3A_27 : f32 to vector<16x20480xf32>
    %select_n3A_29 = arith.select %lt3A_18, %mul3A_26, %broadcast_in_dim3A_28 : vector<16x20480xi1>, vector<16x20480xf32>
    %broadcast_in_dim3A_30 = arith.constant 0.000000e+00 : f32
    %broadcast_in_dim3A_31 = vector.broadcast %broadcast_in_dim3A_30 : f32 to vector<16x1xf32>
    %reduce_min3A = arith.constant dense<0x7F800000> : vector<16xf32>
    %reduce_min3A_32 = vector.multi_reduction <minimumf>, %select_n3A, %reduce_min3A [1] : vector<16x20480xf32> to vector<16xf32>
    %broadcast_in_dim3A_33 = vector.shape_cast %reduce_min3A_32 : vector<16xf32> to vector<16x1xf32>
    %eq3A = vector.broadcast %broadcast_in_dim3A_33 : vector<16x1xf32> to vector<16x20480xf32>
    %eq3A_34 = arith.cmpf oeq, %select_n3A, %eq3A : vector<16x20480xf32>
    %jit3A_35 = arith.constant 1073741824 : i32
    %broadcast_in_dim3A_36 = vector.broadcast %jit3A_35 : i32 to vector<16x20480xi32>
    %select_n3A_37 = arith.select %eq3A_34, %iota3A, %broadcast_in_dim3A_36 : vector<16x20480xi1>, vector<16x20480xi32>
    %reduce_min3A_38 = arith.constant dense<2147483647> : vector<16xi32>
    %reduce_min3A_39 = vector.multi_reduction <minsi>, %select_n3A_37, %reduce_min3A_38 [1] : vector<16x20480xi32> to vector<16xi32>
    %broadcast_in_dim3A_40 = vector.shape_cast %reduce_min3A_39 : vector<16xi32> to vector<16x1xi32>
    %eq3A_41 = vector.broadcast %broadcast_in_dim3A_40 : vector<16x1xi32> to vector<16x20480xi32>
    %eq3A_42 = arith.cmpi eq, %iota3A, %eq3A_41 : vector<16x20480xi32>
    %jit3A_43 = arith.constant 0.000000e+00 : f32
    %broadcast_in_dim3A_44 = vector.broadcast %jit3A_43 : f32 to vector<16x20480xf32>
    %select_n3A_45 = arith.select %eq3A_42, %get3A_7, %broadcast_in_dim3A_44 : vector<16x20480xi1>, vector<16x20480xf32>
    %reduce_sum3A = arith.constant dense<0.000000e+00> : vector<16xf32>
    %reduce_sum3A_46 = vector.multi_reduction <add>, %select_n3A_45, %reduce_sum3A [1] : vector<16x20480xf32> to vector<16xf32>
    %broadcast_in_dim3A_47 = vector.shape_cast %reduce_sum3A_46 : vector<16xf32> to vector<16x1xf32>
    %jit3A_48 = arith.constant 9.99999997E-7 : f32
    %jit3A_49 = arith.constant 0.999998986 : f32
    %max3A = vector.broadcast %jit3A_48 : f32 to vector<16x1xf32>
    %max3A_50 = arith.maximumf %max3A, %broadcast_in_dim3A_47 : vector<16x1xf32>
    %min3A = vector.broadcast %jit3A_49 : f32 to vector<16x1xf32>
    %min3A_51 = arith.minimumf %min3A, %max3A_50 : vector<16x1xf32>
    %log3A = math.log %min3A_51 : vector<16x1xf32>
    %sub3A_52 = arith.subf %broadcast_in_dim3A_31, %log3A : vector<16x1xf32>
    %jit3A_53 = arith.constant 0x7F800000 : f32
    %broadcast_in_dim3A_54 = vector.broadcast %jit3A_53 : f32 to vector<16x20480xf32>
    %select_n3A_55 = arith.select %eq3A_42, %broadcast_in_dim3A_54, %select_n3A : vector<16x20480xi1>, vector<16x20480xf32>
    %reduce_min3A_56 = arith.constant dense<0x7F800000> : vector<16xf32>
    %reduce_min3A_57 = vector.multi_reduction <minimumf>, %select_n3A_55, %reduce_min3A_56 [1] : vector<16x20480xf32> to vector<16xf32>
    %broadcast_in_dim3A_58 = vector.shape_cast %reduce_min3A_57 : vector<16xf32> to vector<16x1xf32>
    %eq3A_59 = vector.broadcast %broadcast_in_dim3A_58 : vector<16x1xf32> to vector<16x20480xf32>
    %eq3A_60 = arith.cmpf oeq, %select_n3A_55, %eq3A_59 : vector<16x20480xf32>
    %jit3A_61 = arith.constant 1073741824 : i32
    %broadcast_in_dim3A_62 = vector.broadcast %jit3A_61 : i32 to vector<16x20480xi32>
    %select_n3A_63 = arith.select %eq3A_60, %iota3A, %broadcast_in_dim3A_62 : vector<16x20480xi1>, vector<16x20480xi32>
    %reduce_min3A_64 = arith.constant dense<2147483647> : vector<16xi32>
    %reduce_min3A_65 = vector.multi_reduction <minsi>, %select_n3A_63, %reduce_min3A_64 [1] : vector<16x20480xi32> to vector<16xi32>
    %broadcast_in_dim3A_66 = vector.shape_cast %reduce_min3A_65 : vector<16xi32> to vector<16x1xi32>
    %eq3A_67 = vector.broadcast %broadcast_in_dim3A_66 : vector<16x1xi32> to vector<16x20480xi32>
    %eq3A_68 = arith.cmpi eq, %iota3A, %eq3A_67 : vector<16x20480xi32>
    %jit3A_69 = arith.constant 0.000000e+00 : f32
    %broadcast_in_dim3A_70 = vector.broadcast %jit3A_69 : f32 to vector<16x20480xf32>
    %select_n3A_71 = arith.select %eq3A_68, %get3A_7, %broadcast_in_dim3A_70 : vector<16x20480xi1>, vector<16x20480xf32>
    %reduce_sum3A_72 = arith.constant dense<0.000000e+00> : vector<16xf32>
    %reduce_sum3A_73 = vector.multi_reduction <add>, %select_n3A_71, %reduce_sum3A_72 [1] : vector<16x20480xf32> to vector<16xf32>
    %broadcast_in_dim3A_74 = vector.shape_cast %reduce_sum3A_73 : vector<16xf32> to vector<16x1xf32>
    %jit3A_75 = arith.constant 9.99999997E-7 : f32
    %jit3A_76 = arith.constant 0.999998986 : f32
    %max3A_77 = vector.broadcast %jit3A_75 : f32 to vector<16x1xf32>
    %max3A_78 = arith.maximumf %max3A_77, %broadcast_in_dim3A_74 : vector<16x1xf32>
    %min3A_79 = vector.broadcast %jit3A_76 : f32 to vector<16x1xf32>
    %min3A_80 = arith.minimumf %min3A_79, %max3A_78 : vector<16x1xf32>
    %log3A_81 = math.log %min3A_80 : vector<16x1xf32>
    %sub3A_82 = arith.subf %sub3A_52, %log3A_81 : vector<16x1xf32>
    %jit3A_83 = arith.constant 0x7F800000 : f32
    %broadcast_in_dim3A_84 = vector.broadcast %jit3A_83 : f32 to vector<16x20480xf32>
    %select_n3A_85 = arith.select %eq3A_68, %broadcast_in_dim3A_84, %select_n3A_55 : vector<16x20480xi1>, vector<16x20480xf32>
    %reduce_min3A_86 = arith.constant dense<0x7F800000> : vector<16xf32>
    %reduce_min3A_87 = vector.multi_reduction <minimumf>, %select_n3A_85, %reduce_min3A_86 [1] : vector<16x20480xf32> to vector<16xf32>
    %broadcast_in_dim3A_88 = vector.shape_cast %reduce_min3A_87 : vector<16xf32> to vector<16x1xf32>
    %eq3A_89 = vector.broadcast %broadcast_in_dim3A_88 : vector<16x1xf32> to vector<16x20480xf32>
    %eq3A_90 = arith.cmpf oeq, %select_n3A_85, %eq3A_89 : vector<16x20480xf32>
    %jit3A_91 = arith.constant 1073741824 : i32
    %broadcast_in_dim3A_92 = vector.broadcast %jit3A_91 : i32 to vector<16x20480xi32>
    %select_n3A_93 = arith.select %eq3A_90, %iota3A, %broadcast_in_dim3A_92 : vector<16x20480xi1>, vector<16x20480xi32>
    %reduce_min3A_94 = arith.constant dense<2147483647> : vector<16xi32>
    %reduce_min3A_95 = vector.multi_reduction <minsi>, %select_n3A_93, %reduce_min3A_94 [1] : vector<16x20480xi32> to vector<16xi32>
    %broadcast_in_dim3A_96 = vector.shape_cast %reduce_min3A_95 : vector<16xi32> to vector<16x1xi32>
    %eq3A_97 = vector.broadcast %broadcast_in_dim3A_96 : vector<16x1xi32> to vector<16x20480xi32>
    %eq3A_98 = arith.cmpi eq, %iota3A, %eq3A_97 : vector<16x20480xi32>
    %jit3A_99 = arith.constant 0.000000e+00 : f32
    %broadcast_in_dim3A_100 = vector.broadcast %jit3A_99 : f32 to vector<16x20480xf32>
    %select_n3A_101 = arith.select %eq3A_98, %get3A_7, %broadcast_in_dim3A_100 : vector<16x20480xi1>, vector<16x20480xf32>
    %reduce_sum3A_102 = arith.constant dense<0.000000e+00> : vector<16xf32>
    %reduce_sum3A_103 = vector.multi_reduction <add>, %select_n3A_101, %reduce_sum3A_102 [1] : vector<16x20480xf32> to vector<16xf32>
    %broadcast_in_dim3A_104 = vector.shape_cast %reduce_sum3A_103 : vector<16xf32> to vector<16x1xf32>
    %jit3A_105 = arith.constant 9.99999997E-7 : f32
    %jit3A_106 = arith.constant 0.999998986 : f32
    %max3A_107 = vector.broadcast %jit3A_105 : f32 to vector<16x1xf32>
    %max3A_108 = arith.maximumf %max3A_107, %broadcast_in_dim3A_104 : vector<16x1xf32>
    %min3A_109 = vector.broadcast %jit3A_106 : f32 to vector<16x1xf32>
    %min3A_110 = arith.minimumf %min3A_109, %max3A_108 : vector<16x1xf32>
    %log3A_111 = math.log %min3A_110 : vector<16x1xf32>
    %sub3A_112 = arith.subf %sub3A_82, %log3A_111 : vector<16x1xf32>
    %jit3A_113 = arith.constant 0x7F800000 : f32
    %broadcast_in_dim3A_114 = vector.broadcast %jit3A_113 : f32 to vector<16x20480xf32>
    %select_n3A_115 = arith.select %eq3A_98, %broadcast_in_dim3A_114, %select_n3A_85 : vector<16x20480xi1>, vector<16x20480xf32>
    %reduce_min3A_116 = arith.constant dense<0x7F800000> : vector<16xf32>
    %reduce_min3A_117 = vector.multi_reduction <minimumf>, %select_n3A_115, %reduce_min3A_116 [1] : vector<16x20480xf32> to vector<16xf32>
    %broadcast_in_dim3A_118 = vector.shape_cast %reduce_min3A_117 : vector<16xf32> to vector<16x1xf32>
    %eq3A_119 = vector.broadcast %broadcast_in_dim3A_118 : vector<16x1xf32> to vector<16x20480xf32>
    %eq3A_120 = arith.cmpf oeq, %select_n3A_115, %eq3A_119 : vector<16x20480xf32>
    %jit3A_121 = arith.constant 1073741824 : i32
    %broadcast_in_dim3A_122 = vector.broadcast %jit3A_121 : i32 to vector<16x20480xi32>
    %select_n3A_123 = arith.select %eq3A_120, %iota3A, %broadcast_in_dim3A_122 : vector<16x20480xi1>, vector<16x20480xi32>
    %reduce_min3A_124 = arith.constant dense<2147483647> : vector<16xi32>
    %reduce_min3A_125 = vector.multi_reduction <minsi>, %select_n3A_123, %reduce_min3A_124 [1] : vector<16x20480xi32> to vector<16xi32>
    %broadcast_in_dim3A_126 = vector.shape_cast %reduce_min3A_125 : vector<16xi32> to vector<16x1xi32>
    %eq3A_127 = vector.broadcast %broadcast_in_dim3A_126 : vector<16x1xi32> to vector<16x20480xi32>
    %eq3A_128 = arith.cmpi eq, %iota3A, %eq3A_127 : vector<16x20480xi32>
    %jit3A_129 = arith.constant 0.000000e+00 : f32
    %broadcast_in_dim3A_130 = vector.broadcast %jit3A_129 : f32 to vector<16x20480xf32>
    %select_n3A_131 = arith.select %eq3A_128, %get3A_7, %broadcast_in_dim3A_130 : vector<16x20480xi1>, vector<16x20480xf32>
    %reduce_sum3A_132 = arith.constant dense<0.000000e+00> : vector<16xf32>
    %reduce_sum3A_133 = vector.multi_reduction <add>, %select_n3A_131, %reduce_sum3A_132 [1] : vector<16x20480xf32> to vector<16xf32>
    %broadcast_in_dim3A_134 = vector.shape_cast %reduce_sum3A_133 : vector<16xf32> to vector<16x1xf32>
    %jit3A_135 = arith.constant 9.99999997E-7 : f32
    %jit3A_136 = arith.constant 0.999998986 : f32
    %max3A_137 = vector.broadcast %jit3A_135 : f32 to vector<16x1xf32>
    %max3A_138 = arith.maximumf %max3A_137, %broadcast_in_dim3A_134 : vector<16x1xf32>
    %min3A_139 = vector.broadcast %jit3A_136 : f32 to vector<16x1xf32>
    %min3A_140 = arith.minimumf %min3A_139, %max3A_138 : vector<16x1xf32>
    %log3A_141 = math.log %min3A_140 : vector<16x1xf32>
    %sub3A_142 = arith.subf %sub3A_112, %log3A_141 : vector<16x1xf32>
    %jit3A_143 = arith.constant 0x7F800000 : f32
    %broadcast_in_dim3A_144 = vector.broadcast %jit3A_143 : f32 to vector<16x20480xf32>
    %select_n3A_145 = arith.select %eq3A_128, %broadcast_in_dim3A_144, %select_n3A_115 : vector<16x20480xi1>, vector<16x20480xf32>
    %reduce_min3A_146 = arith.constant dense<0x7F800000> : vector<16xf32>
    %reduce_min3A_147 = vector.multi_reduction <minimumf>, %select_n3A_145, %reduce_min3A_146 [1] : vector<16x20480xf32> to vector<16xf32>
    %broadcast_in_dim3A_148 = vector.shape_cast %reduce_min3A_147 : vector<16xf32> to vector<16x1xf32>
    %eq3A_149 = vector.broadcast %broadcast_in_dim3A_148 : vector<16x1xf32> to vector<16x20480xf32>
    %eq3A_150 = arith.cmpf oeq, %select_n3A_145, %eq3A_149 : vector<16x20480xf32>
    %jit3A_151 = arith.constant 1073741824 : i32
    %broadcast_in_dim3A_152 = vector.broadcast %jit3A_151 : i32 to vector<16x20480xi32>
    %select_n3A_153 = arith.select %eq3A_150, %iota3A, %broadcast_in_dim3A_152 : vector<16x20480xi1>, vector<16x20480xi32>
    %reduce_min3A_154 = arith.constant dense<2147483647> : vector<16xi32>
    %reduce_min3A_155 = vector.multi_reduction <minsi>, %select_n3A_153, %reduce_min3A_154 [1] : vector<16x20480xi32> to vector<16xi32>
    %broadcast_in_dim3A_156 = vector.shape_cast %reduce_min3A_155 : vector<16xi32> to vector<16x1xi32>
    %eq3A_157 = vector.broadcast %broadcast_in_dim3A_156 : vector<16x1xi32> to vector<16x20480xi32>
    %eq3A_158 = arith.cmpi eq, %iota3A, %eq3A_157 : vector<16x20480xi32>
    %jit3A_159 = arith.constant 0.000000e+00 : f32
    %broadcast_in_dim3A_160 = vector.broadcast %jit3A_159 : f32 to vector<16x20480xf32>
    %select_n3A_161 = arith.select %eq3A_158, %get3A_7, %broadcast_in_dim3A_160 : vector<16x20480xi1>, vector<16x20480xf32>
    %reduce_sum3A_162 = arith.constant dense<0.000000e+00> : vector<16xf32>
    %reduce_sum3A_163 = vector.multi_reduction <add>, %select_n3A_161, %reduce_sum3A_162 [1] : vector<16x20480xf32> to vector<16xf32>
    %broadcast_in_dim3A_164 = vector.shape_cast %reduce_sum3A_163 : vector<16xf32> to vector<16x1xf32>
    %jit3A_165 = arith.constant 9.99999997E-7 : f32
    %jit3A_166 = arith.constant 0.999998986 : f32
    %max3A_167 = vector.broadcast %jit3A_165 : f32 to vector<16x1xf32>
    %max3A_168 = arith.maximumf %max3A_167, %broadcast_in_dim3A_164 : vector<16x1xf32>
    %min3A_169 = vector.broadcast %jit3A_166 : f32 to vector<16x1xf32>
    %min3A_170 = arith.minimumf %min3A_169, %max3A_168 : vector<16x1xf32>
    %log3A_171 = math.log %min3A_170 : vector<16x1xf32>
    %sub3A_172 = arith.subf %sub3A_142, %log3A_171 : vector<16x1xf32>
    %jit3A_173 = arith.constant 0x7F800000 : f32
    %broadcast_in_dim3A_174 = vector.broadcast %jit3A_173 : f32 to vector<16x20480xf32>
    %select_n3A_175 = arith.select %eq3A_158, %broadcast_in_dim3A_174, %select_n3A_145 : vector<16x20480xi1>, vector<16x20480xf32>
    %reduce_min3A_176 = arith.constant dense<0x7F800000> : vector<16xf32>
    %reduce_min3A_177 = vector.multi_reduction <minimumf>, %select_n3A_175, %reduce_min3A_176 [1] : vector<16x20480xf32> to vector<16xf32>
    %broadcast_in_dim3A_178 = vector.shape_cast %reduce_min3A_177 : vector<16xf32> to vector<16x1xf32>
    %eq3A_179 = vector.broadcast %broadcast_in_dim3A_178 : vector<16x1xf32> to vector<16x20480xf32>
    %eq3A_180 = arith.cmpf oeq, %select_n3A_175, %eq3A_179 : vector<16x20480xf32>
    %jit3A_181 = arith.constant 1073741824 : i32
    %broadcast_in_dim3A_182 = vector.broadcast %jit3A_181 : i32 to vector<16x20480xi32>
    %select_n3A_183 = arith.select %eq3A_180, %iota3A, %broadcast_in_dim3A_182 : vector<16x20480xi1>, vector<16x20480xi32>
    %reduce_min3A_184 = arith.constant dense<2147483647> : vector<16xi32>
    %reduce_min3A_185 = vector.multi_reduction <minsi>, %select_n3A_183, %reduce_min3A_184 [1] : vector<16x20480xi32> to vector<16xi32>
    %broadcast_in_dim3A_186 = vector.shape_cast %reduce_min3A_185 : vector<16xi32> to vector<16x1xi32>
    %eq3A_187 = vector.broadcast %broadcast_in_dim3A_186 : vector<16x1xi32> to vector<16x20480xi32>
    %eq3A_188 = arith.cmpi eq, %iota3A, %eq3A_187 : vector<16x20480xi32>
    %jit3A_189 = arith.constant 0.000000e+00 : f32
    %broadcast_in_dim3A_190 = vector.broadcast %jit3A_189 : f32 to vector<16x20480xf32>
    %select_n3A_191 = arith.select %eq3A_188, %get3A_7, %broadcast_in_dim3A_190 : vector<16x20480xi1>, vector<16x20480xf32>
    %reduce_sum3A_192 = arith.constant dense<0.000000e+00> : vector<16xf32>
    %reduce_sum3A_193 = vector.multi_reduction <add>, %select_n3A_191, %reduce_sum3A_192 [1] : vector<16x20480xf32> to vector<16xf32>
    %broadcast_in_dim3A_194 = vector.shape_cast %reduce_sum3A_193 : vector<16xf32> to vector<16x1xf32>
    %jit3A_195 = arith.constant 9.99999997E-7 : f32
    %jit3A_196 = arith.constant 0.999998986 : f32
    %max3A_197 = vector.broadcast %jit3A_195 : f32 to vector<16x1xf32>
    %max3A_198 = arith.maximumf %max3A_197, %broadcast_in_dim3A_194 : vector<16x1xf32>
    %min3A_199 = vector.broadcast %jit3A_196 : f32 to vector<16x1xf32>
    %min3A_200 = arith.minimumf %min3A_199, %max3A_198 : vector<16x1xf32>
    %log3A_201 = math.log %min3A_200 : vector<16x1xf32>
    %sub3A_202 = arith.subf %sub3A_172, %log3A_201 : vector<16x1xf32>
    %div3A = arith.constant 6.000000e+00 : f32
    %div3A_203 = vector.broadcast %div3A : f32 to vector<16x1xf32>
    %div3A_204 = arith.divf %sub3A_202, %div3A_203 : vector<16x1xf32>
    %jit3A_205 = arith.constant 0.000000e+00 : f32
    %broadcast_in_dim3A_206 = vector.broadcast %jit3A_205 : f32 to vector<16x20480xf32>
    %select_n3A_207 = arith.select %eq3A_42, %get3A_1, %broadcast_in_dim3A_206 : vector<16x20480xi1>, vector<16x20480xf32>
    %reduce_sum3A_208 = arith.constant dense<0.000000e+00> : vector<16xf32>
    %reduce_sum3A_209 = vector.multi_reduction <add>, %select_n3A_207, %reduce_sum3A_208 [1] : vector<16x20480xf32> to vector<16xf32>
    %broadcast_in_dim3A_210 = vector.shape_cast %reduce_sum3A_209 : vector<16xf32> to vector<16x1xf32>
    %jit3A_211 = arith.constant 0.000000e+00 : f32
    %broadcast_in_dim3A_212 = vector.broadcast %jit3A_211 : f32 to vector<16x20480xf32>
    %select_n3A_213 = arith.select %eq3A_42, %get3A_4, %broadcast_in_dim3A_212 : vector<16x20480xi1>, vector<16x20480xf32>
    %reduce_sum3A_214 = arith.constant dense<0.000000e+00> : vector<16xf32>
    %reduce_sum3A_215 = vector.multi_reduction <add>, %select_n3A_213, %reduce_sum3A_214 [1] : vector<16x20480xf32> to vector<16xf32>
    %broadcast_in_dim3A_216 = vector.shape_cast %reduce_sum3A_215 : vector<16xf32> to vector<16x1xf32>
    %sub3A_217 = arith.subf %broadcast_in_dim3A_210, %get3A_13 : vector<16x1xf32>
    %abs3A = math.absf %sub3A_217 : vector<16x1xf32>
    %lt3A_218 = arith.constant 1.000000e+00 : f32
    %lt3A_219 = vector.broadcast %lt3A_218 : f32 to vector<16x1xf32>
    %lt3A_220 = arith.cmpf olt, %abs3A, %lt3A_219 : vector<16x1xf32>
    %mul3A_221 = arith.constant 5.000000e-01 : f32
    %mul3A_222 = vector.broadcast %mul3A_221 : f32 to vector<16x1xf32>
    %mul3A_223 = arith.mulf %mul3A_222, %sub3A_217 : vector<16x1xf32>
    %mul3A_224 = arith.mulf %mul3A_223, %sub3A_217 : vector<16x1xf32>
    %sub3A_225 = arith.constant 5.000000e-01 : f32
    %sub3A_226 = vector.broadcast %sub3A_225 : f32 to vector<16x1xf32>
    %sub3A_227 = arith.subf %abs3A, %sub3A_226 : vector<16x1xf32>
    %select_n3A_228 = arith.select %lt3A_220, %mul3A_224, %sub3A_227 : vector<16x1xi1>, vector<16x1xf32>
    %sub3A_229 = arith.subf %broadcast_in_dim3A_216, %get3A_16 : vector<16x1xf32>
    %abs3A_230 = math.absf %sub3A_229 : vector<16x1xf32>
    %lt3A_231 = arith.constant 1.000000e+00 : f32
    %lt3A_232 = vector.broadcast %lt3A_231 : f32 to vector<16x1xf32>
    %lt3A_233 = arith.cmpf olt, %abs3A_230, %lt3A_232 : vector<16x1xf32>
    %mul3A_234 = arith.constant 5.000000e-01 : f32
    %mul3A_235 = vector.broadcast %mul3A_234 : f32 to vector<16x1xf32>
    %mul3A_236 = arith.mulf %mul3A_235, %sub3A_229 : vector<16x1xf32>
    %mul3A_237 = arith.mulf %mul3A_236, %sub3A_229 : vector<16x1xf32>
    %sub3A_238 = arith.constant 5.000000e-01 : f32
    %sub3A_239 = vector.broadcast %sub3A_238 : f32 to vector<16x1xf32>
    %sub3A_240 = arith.subf %abs3A_230, %sub3A_239 : vector<16x1xf32>
    %select_n3A_241 = arith.select %lt3A_233, %mul3A_237, %sub3A_240 : vector<16x1xi1>, vector<16x1xf32>
    %add3A_242 = arith.addf %select_n3A_228, %select_n3A_241 : vector<16x1xf32>
    %mul3A_243 = arith.constant 5.000000e-01 : f32
    %mul3A_244 = vector.broadcast %mul3A_243 : f32 to vector<16x1xf32>
    %mul3A_245 = arith.mulf %mul3A_244, %add3A_242 : vector<16x1xf32>
    %jit3A_246 = arith.constant 0.000000e+00 : f32
    %broadcast_in_dim3A_247 = vector.broadcast %jit3A_246 : f32 to vector<16x20480xf32>
    %select_n3A_248 = arith.select %eq3A_42, %get3A_10, %broadcast_in_dim3A_247 : vector<16x20480xi1>, vector<16x20480xf32>
    %reduce_sum3A_249 = arith.constant dense<0.000000e+00> : vector<16xf32>
    %reduce_sum3A_250 = vector.multi_reduction <add>, %select_n3A_248, %reduce_sum3A_249 [1] : vector<16x20480xf32> to vector<16xf32>
    %broadcast_in_dim3A_251 = vector.shape_cast %reduce_sum3A_250 : vector<16xf32> to vector<16x1xf32>
    %ge3A = arith.constant 2.000000e+00 : f32
    %ge3A_252 = vector.broadcast %ge3A : f32 to vector<16x1xf32>
    %ge3A_253 = arith.cmpf oge, %broadcast_in_dim3A_33, %ge3A_252 : vector<16x1xf32>
    %div3A_254 = arith.constant 2.000000e+00 : f32
    %div3A_255 = vector.broadcast %div3A_254 : f32 to vector<16x1xf32>
    %div3A_256 = arith.divf %broadcast_in_dim3A_33, %div3A_255 : vector<16x1xf32>
    %sqrt3A_257 = math.sqrt %div3A_256 : vector<16x1xf32>
    %sub3A_258 = arith.constant 1.000000e+00 : f32
    %sub3A_259 = vector.broadcast %sub3A_258 : f32 to vector<16x1xf32>
    %sub3A_260 = arith.subf %sub3A_259, %sqrt3A_257 : vector<16x1xf32>
    %jit3A_261 = arith.constant 0.000000e+00 : f32
    %broadcast_in_dim3A_262 = vector.broadcast %jit3A_261 : f32 to vector<16x1xf32>
    %select_n3A_263 = arith.select %ge3A_253, %broadcast_in_dim3A_262, %sub3A_260 : vector<16x1xi1>, vector<16x1xf32>
    %jit3A_264 = arith.constant 9.99999997E-7 : f32
    %jit3A_265 = arith.constant 0.999998986 : f32
    %max3A_266 = vector.broadcast %jit3A_264 : f32 to vector<16x1xf32>
    %max3A_267 = arith.maximumf %max3A_266, %broadcast_in_dim3A_251 : vector<16x1xf32>
    %min3A_268 = vector.broadcast %jit3A_265 : f32 to vector<16x1xf32>
    %min3A_269 = arith.minimumf %min3A_268, %max3A_267 : vector<16x1xf32>
    %log3A_270 = math.log %min3A_269 : vector<16x1xf32>
    %mul3A_271 = arith.mulf %select_n3A_263, %log3A_270 : vector<16x1xf32>
    %sub3A_272 = arith.constant 1.000000e+00 : f32
    %sub3A_273 = vector.broadcast %sub3A_272 : f32 to vector<16x1xf32>
    %sub3A_274 = arith.subf %sub3A_273, %select_n3A_263 : vector<16x1xf32>
    %sub3A_275 = arith.constant 1.000000e+00 : f32
    %sub3A_276 = vector.broadcast %sub3A_275 : f32 to vector<16x1xf32>
    %sub3A_277 = arith.subf %sub3A_276, %min3A_269 : vector<16x1xf32>
    %log3A_278 = math.log %sub3A_277 : vector<16x1xf32>
    %mul3A_279 = arith.mulf %sub3A_274, %log3A_278 : vector<16x1xf32>
    %add3A_280 = arith.addf %mul3A_271, %mul3A_279 : vector<16x1xf32>
    %neg3A = arith.constant 0.000000e+00 : f32
    %neg3A_281 = vector.broadcast %neg3A : f32 to vector<16x1xf32>
    %neg3A_282 = arith.subf %neg3A_281, %add3A_280 : vector<16x1xf32>
    %add3A_283 = arith.addf %div3A_204, %mul3A_245 : vector<16x1xf32>
    %add3A_284 = arith.addf %add3A_283, %neg3A_282 : vector<16x1xf32>
    %reduce_max3A = arith.constant dense<0xFF800000> : vector<16xf32>
    %reduce_max3A_285 = vector.multi_reduction <maximumf>, %select_n3A_29, %reduce_max3A [1] : vector<16x20480xf32> to vector<16xf32>
    %broadcast_in_dim3A_286 = vector.shape_cast %reduce_max3A_285 : vector<16xf32> to vector<16x1xf32>
    %eq3A_287 = vector.broadcast %broadcast_in_dim3A_286 : vector<16x1xf32> to vector<16x20480xf32>
    %eq3A_288 = arith.cmpf oeq, %select_n3A_29, %eq3A_287 : vector<16x20480xf32>
    %jit3A_289 = arith.constant 1073741824 : i32
    %broadcast_in_dim3A_290 = vector.broadcast %jit3A_289 : i32 to vector<16x20480xi32>
    %select_n3A_291 = arith.select %eq3A_288, %iota3A, %broadcast_in_dim3A_290 : vector<16x20480xi1>, vector<16x20480xi32>
    %reduce_min3A_292 = arith.constant dense<2147483647> : vector<16xi32>
    %reduce_min3A_293 = vector.multi_reduction <minsi>, %select_n3A_291, %reduce_min3A_292 [1] : vector<16x20480xi32> to vector<16xi32>
    %broadcast_in_dim3A_294 = vector.shape_cast %reduce_min3A_293 : vector<16xi32> to vector<16x1xi32>
    %eq3A_295 = vector.broadcast %broadcast_in_dim3A_294 : vector<16x1xi32> to vector<16x20480xi32>
    %eq3A_296 = arith.cmpi eq, %iota3A, %eq3A_295 : vector<16x20480xi32>
    %jit3A_297 = arith.constant 0.000000e+00 : f32
    %broadcast_in_dim3A_298 = vector.broadcast %jit3A_297 : f32 to vector<16x20480xf32>
    %select_n3A_299 = arith.select %eq3A_296, %select_n3A, %broadcast_in_dim3A_298 : vector<16x20480xi1>, vector<16x20480xf32>
    %reduce_sum3A_300 = arith.constant dense<0.000000e+00> : vector<16xf32>
    %reduce_sum3A_301 = vector.multi_reduction <add>, %select_n3A_299, %reduce_sum3A_300 [1] : vector<16x20480xf32> to vector<16xf32>
    %broadcast_in_dim3A_302 = vector.shape_cast %reduce_sum3A_301 : vector<16xf32> to vector<16x1xf32>
    %reduce_max3A_303 = arith.constant dense<0xFF800000> : vector<16xf32>
    %reduce_max3A_304 = vector.multi_reduction <maximumf>, %select_n3A_29, %reduce_max3A_303 [1] : vector<16x20480xf32> to vector<16xf32>
    %broadcast_in_dim3A_305 = vector.shape_cast %reduce_max3A_304 : vector<16xf32> to vector<16x1xf32>
    %eq3A_306 = vector.broadcast %broadcast_in_dim3A_305 : vector<16x1xf32> to vector<16x20480xf32>
    %eq3A_307 = arith.cmpf oeq, %select_n3A_29, %eq3A_306 : vector<16x20480xf32>
    %jit3A_308 = arith.constant 1073741824 : i32
    %broadcast_in_dim3A_309 = vector.broadcast %jit3A_308 : i32 to vector<16x20480xi32>
    %select_n3A_310 = arith.select %eq3A_307, %iota3A, %broadcast_in_dim3A_309 : vector<16x20480xi1>, vector<16x20480xi32>
    %reduce_min3A_311 = arith.constant dense<2147483647> : vector<16xi32>
    %reduce_min3A_312 = vector.multi_reduction <minsi>, %select_n3A_310, %reduce_min3A_311 [1] : vector<16x20480xi32> to vector<16xi32>
    %broadcast_in_dim3A_313 = vector.shape_cast %reduce_min3A_312 : vector<16xi32> to vector<16x1xi32>
    %eq3A_314 = vector.broadcast %broadcast_in_dim3A_313 : vector<16x1xi32> to vector<16x20480xi32>
    %eq3A_315 = arith.cmpi eq, %iota3A, %eq3A_314 : vector<16x20480xi32>
    %jit3A_316 = arith.constant 0.000000e+00 : f32
    %broadcast_in_dim3A_317 = vector.broadcast %jit3A_316 : f32 to vector<16x20480xf32>
    %select_n3A_318 = arith.select %eq3A_315, %get3A_1, %broadcast_in_dim3A_317 : vector<16x20480xi1>, vector<16x20480xf32>
    %reduce_sum3A_319 = arith.constant dense<0.000000e+00> : vector<16xf32>
    %reduce_sum3A_320 = vector.multi_reduction <add>, %select_n3A_318, %reduce_sum3A_319 [1] : vector<16x20480xf32> to vector<16xf32>
    %broadcast_in_dim3A_321 = vector.shape_cast %reduce_sum3A_320 : vector<16xf32> to vector<16x1xf32>
    %jit3A_322 = arith.constant 0.000000e+00 : f32
    %broadcast_in_dim3A_323 = vector.broadcast %jit3A_322 : f32 to vector<16x20480xf32>
    %select_n3A_324 = arith.select %eq3A_315, %get3A_4, %broadcast_in_dim3A_323 : vector<16x20480xi1>, vector<16x20480xf32>
    %reduce_sum3A_325 = arith.constant dense<0.000000e+00> : vector<16xf32>
    %reduce_sum3A_326 = vector.multi_reduction <add>, %select_n3A_324, %reduce_sum3A_325 [1] : vector<16x20480xf32> to vector<16xf32>
    %broadcast_in_dim3A_327 = vector.shape_cast %reduce_sum3A_326 : vector<16xf32> to vector<16x1xf32>
    %sub3A_328 = vector.broadcast %broadcast_in_dim3A_321 : vector<16x1xf32> to vector<16x20480xf32>
    %sub3A_329 = arith.subf %get3A_1, %sub3A_328 : vector<16x20480xf32>
    %sub3A_330 = vector.broadcast %broadcast_in_dim3A_327 : vector<16x1xf32> to vector<16x20480xf32>
    %sub3A_331 = arith.subf %get3A_4, %sub3A_330 : vector<16x20480xf32>
    %mul3A_332 = arith.mulf %sub3A_329, %sub3A_329 : vector<16x20480xf32>
    %mul3A_333 = arith.mulf %sub3A_331, %sub3A_331 : vector<16x20480xf32>
    %add3A_334 = arith.addf %mul3A_332, %mul3A_333 : vector<16x20480xf32>
    %add3A_335 = arith.constant 9.99999996E-13 : f32
    %add3A_336 = vector.broadcast %add3A_335 : f32 to vector<16x20480xf32>
    %add3A_337 = arith.addf %add3A_334, %add3A_336 : vector<16x20480xf32>
    %sqrt3A_338 = math.sqrt %add3A_337 : vector<16x20480xf32>
    %lt3A_339 = arith.constant 2.000000e+00 : f32
    %lt3A_340 = vector.broadcast %lt3A_339 : f32 to vector<16x20480xf32>
    %lt3A_341 = arith.cmpf olt, %sqrt3A_338, %lt3A_340 : vector<16x20480xf32>
    %jit3A_342 = arith.constant 0xFF800000 : f32
    %broadcast_in_dim3A_343 = vector.broadcast %jit3A_342 : f32 to vector<16x20480xf32>
    %select_n3A_344 = arith.select %lt3A_341, %broadcast_in_dim3A_343, %select_n3A_29 : vector<16x20480xi1>, vector<16x20480xf32>
    %reduce_max3A_345 = arith.constant dense<0xFF800000> : vector<16xf32>
    %reduce_max3A_346 = vector.multi_reduction <maximumf>, %select_n3A_344, %reduce_max3A_345 [1] : vector<16x20480xf32> to vector<16xf32>
    %broadcast_in_dim3A_347 = vector.shape_cast %reduce_max3A_346 : vector<16xf32> to vector<16x1xf32>
    %eq3A_348 = vector.broadcast %broadcast_in_dim3A_347 : vector<16x1xf32> to vector<16x20480xf32>
    %eq3A_349 = arith.cmpf oeq, %select_n3A_344, %eq3A_348 : vector<16x20480xf32>
    %jit3A_350 = arith.constant 1073741824 : i32
    %broadcast_in_dim3A_351 = vector.broadcast %jit3A_350 : i32 to vector<16x20480xi32>
    %select_n3A_352 = arith.select %eq3A_349, %iota3A, %broadcast_in_dim3A_351 : vector<16x20480xi1>, vector<16x20480xi32>
    %reduce_min3A_353 = arith.constant dense<2147483647> : vector<16xi32>
    %reduce_min3A_354 = vector.multi_reduction <minsi>, %select_n3A_352, %reduce_min3A_353 [1] : vector<16x20480xi32> to vector<16xi32>
    %broadcast_in_dim3A_355 = vector.shape_cast %reduce_min3A_354 : vector<16xi32> to vector<16x1xi32>
    %eq3A_356 = vector.broadcast %broadcast_in_dim3A_355 : vector<16x1xi32> to vector<16x20480xi32>
    %eq3A_357 = arith.cmpi eq, %iota3A, %eq3A_356 : vector<16x20480xi32>
    %jit3A_358 = arith.constant 0.000000e+00 : f32
    %broadcast_in_dim3A_359 = vector.broadcast %jit3A_358 : f32 to vector<16x20480xf32>
    %select_n3A_360 = arith.select %eq3A_357, %get3A_1, %broadcast_in_dim3A_359 : vector<16x20480xi1>, vector<16x20480xf32>
    %reduce_sum3A_361 = arith.constant dense<0.000000e+00> : vector<16xf32>
    %reduce_sum3A_362 = vector.multi_reduction <add>, %select_n3A_360, %reduce_sum3A_361 [1] : vector<16x20480xf32> to vector<16xf32>
    %broadcast_in_dim3A_363 = vector.shape_cast %reduce_sum3A_362 : vector<16xf32> to vector<16x1xf32>
    %jit3A_364 = arith.constant 0.000000e+00 : f32
    %broadcast_in_dim3A_365 = vector.broadcast %jit3A_364 : f32 to vector<16x20480xf32>
    %select_n3A_366 = arith.select %eq3A_357, %get3A_4, %broadcast_in_dim3A_365 : vector<16x20480xi1>, vector<16x20480xf32>
    %reduce_sum3A_367 = arith.constant dense<0.000000e+00> : vector<16xf32>
    %reduce_sum3A_368 = vector.multi_reduction <add>, %select_n3A_366, %reduce_sum3A_367 [1] : vector<16x20480xf32> to vector<16xf32>
    %broadcast_in_dim3A_369 = vector.shape_cast %reduce_sum3A_368 : vector<16xf32> to vector<16x1xf32>
    %sub3A_370 = vector.broadcast %broadcast_in_dim3A_363 : vector<16x1xf32> to vector<16x20480xf32>
    %sub3A_371 = arith.subf %get3A_1, %sub3A_370 : vector<16x20480xf32>
    %sub3A_372 = vector.broadcast %broadcast_in_dim3A_369 : vector<16x1xf32> to vector<16x20480xf32>
    %sub3A_373 = arith.subf %get3A_4, %sub3A_372 : vector<16x20480xf32>
    %mul3A_374 = arith.mulf %sub3A_371, %sub3A_371 : vector<16x20480xf32>
    %mul3A_375 = arith.mulf %sub3A_373, %sub3A_373 : vector<16x20480xf32>
    %add3A_376 = arith.addf %mul3A_374, %mul3A_375 : vector<16x20480xf32>
    %add3A_377 = arith.constant 9.99999996E-13 : f32
    %add3A_378 = vector.broadcast %add3A_377 : f32 to vector<16x20480xf32>
    %add3A_379 = arith.addf %add3A_376, %add3A_378 : vector<16x20480xf32>
    %sqrt3A_380 = math.sqrt %add3A_379 : vector<16x20480xf32>
    %lt3A_381 = arith.constant 2.000000e+00 : f32
    %lt3A_382 = vector.broadcast %lt3A_381 : f32 to vector<16x20480xf32>
    %lt3A_383 = arith.cmpf olt, %sqrt3A_380, %lt3A_382 : vector<16x20480xf32>
    %jit3A_384 = arith.constant 0xFF800000 : f32
    %broadcast_in_dim3A_385 = vector.broadcast %jit3A_384 : f32 to vector<16x20480xf32>
    %select_n3A_386 = arith.select %lt3A_383, %broadcast_in_dim3A_385, %select_n3A_344 : vector<16x20480xi1>, vector<16x20480xf32>
    %reduce_max3A_387 = arith.constant dense<0xFF800000> : vector<16xf32>
    %reduce_max3A_388 = vector.multi_reduction <maximumf>, %select_n3A_386, %reduce_max3A_387 [1] : vector<16x20480xf32> to vector<16xf32>
    %broadcast_in_dim3A_389 = vector.shape_cast %reduce_max3A_388 : vector<16xf32> to vector<16x1xf32>
    %eq3A_390 = vector.broadcast %broadcast_in_dim3A_389 : vector<16x1xf32> to vector<16x20480xf32>
    %eq3A_391 = arith.cmpf oeq, %select_n3A_386, %eq3A_390 : vector<16x20480xf32>
    %jit3A_392 = arith.constant 1073741824 : i32
    %broadcast_in_dim3A_393 = vector.broadcast %jit3A_392 : i32 to vector<16x20480xi32>
    %select_n3A_394 = arith.select %eq3A_391, %iota3A, %broadcast_in_dim3A_393 : vector<16x20480xi1>, vector<16x20480xi32>
    %reduce_min3A_395 = arith.constant dense<2147483647> : vector<16xi32>
    %reduce_min3A_396 = vector.multi_reduction <minsi>, %select_n3A_394, %reduce_min3A_395 [1] : vector<16x20480xi32> to vector<16xi32>
    %broadcast_in_dim3A_397 = vector.shape_cast %reduce_min3A_396 : vector<16xi32> to vector<16x1xi32>
    %eq3A_398 = vector.broadcast %broadcast_in_dim3A_397 : vector<16x1xi32> to vector<16x20480xi32>
    %eq3A_399 = arith.cmpi eq, %iota3A, %eq3A_398 : vector<16x20480xi32>
    %jit3A_400 = arith.constant 0.000000e+00 : f32
    %broadcast_in_dim3A_401 = vector.broadcast %jit3A_400 : f32 to vector<16x20480xf32>
    %select_n3A_402 = arith.select %eq3A_399, %get3A_1, %broadcast_in_dim3A_401 : vector<16x20480xi1>, vector<16x20480xf32>
    %reduce_sum3A_403 = arith.constant dense<0.000000e+00> : vector<16xf32>
    %reduce_sum3A_404 = vector.multi_reduction <add>, %select_n3A_402, %reduce_sum3A_403 [1] : vector<16x20480xf32> to vector<16xf32>
    %broadcast_in_dim3A_405 = vector.shape_cast %reduce_sum3A_404 : vector<16xf32> to vector<16x1xf32>
    %jit3A_406 = arith.constant 0.000000e+00 : f32
    %broadcast_in_dim3A_407 = vector.broadcast %jit3A_406 : f32 to vector<16x20480xf32>
    %select_n3A_408 = arith.select %eq3A_399, %get3A_4, %broadcast_in_dim3A_407 : vector<16x20480xi1>, vector<16x20480xf32>
    %reduce_sum3A_409 = arith.constant dense<0.000000e+00> : vector<16xf32>
    %reduce_sum3A_410 = vector.multi_reduction <add>, %select_n3A_408, %reduce_sum3A_409 [1] : vector<16x20480xf32> to vector<16xf32>
    %broadcast_in_dim3A_411 = vector.shape_cast %reduce_sum3A_410 : vector<16xf32> to vector<16x1xf32>
    %sub3A_412 = vector.broadcast %broadcast_in_dim3A_405 : vector<16x1xf32> to vector<16x20480xf32>
    %sub3A_413 = arith.subf %get3A_1, %sub3A_412 : vector<16x20480xf32>
    %sub3A_414 = vector.broadcast %broadcast_in_dim3A_411 : vector<16x1xf32> to vector<16x20480xf32>
    %sub3A_415 = arith.subf %get3A_4, %sub3A_414 : vector<16x20480xf32>
    %mul3A_416 = arith.mulf %sub3A_413, %sub3A_413 : vector<16x20480xf32>
    %mul3A_417 = arith.mulf %sub3A_415, %sub3A_415 : vector<16x20480xf32>
    %add3A_418 = arith.addf %mul3A_416, %mul3A_417 : vector<16x20480xf32>
    %add3A_419 = arith.constant 9.99999996E-13 : f32
    %add3A_420 = vector.broadcast %add3A_419 : f32 to vector<16x20480xf32>
    %add3A_421 = arith.addf %add3A_418, %add3A_420 : vector<16x20480xf32>
    %sqrt3A_422 = math.sqrt %add3A_421 : vector<16x20480xf32>
    %lt3A_423 = arith.constant 2.000000e+00 : f32
    %lt3A_424 = vector.broadcast %lt3A_423 : f32 to vector<16x20480xf32>
    %lt3A_425 = arith.cmpf olt, %sqrt3A_422, %lt3A_424 : vector<16x20480xf32>
    %jit3A_426 = arith.constant 0xFF800000 : f32
    %broadcast_in_dim3A_427 = vector.broadcast %jit3A_426 : f32 to vector<16x20480xf32>
    %select_n3A_428 = arith.select %lt3A_425, %broadcast_in_dim3A_427, %select_n3A_386 : vector<16x20480xi1>, vector<16x20480xf32>
    %reduce_max3A_429 = arith.constant dense<0xFF800000> : vector<16xf32>
    %reduce_max3A_430 = vector.multi_reduction <maximumf>, %select_n3A_428, %reduce_max3A_429 [1] : vector<16x20480xf32> to vector<16xf32>
    %broadcast_in_dim3A_431 = vector.shape_cast %reduce_max3A_430 : vector<16xf32> to vector<16x1xf32>
    %eq3A_432 = vector.broadcast %broadcast_in_dim3A_431 : vector<16x1xf32> to vector<16x20480xf32>
    %eq3A_433 = arith.cmpf oeq, %select_n3A_428, %eq3A_432 : vector<16x20480xf32>
    %jit3A_434 = arith.constant 1073741824 : i32
    %broadcast_in_dim3A_435 = vector.broadcast %jit3A_434 : i32 to vector<16x20480xi32>
    %select_n3A_436 = arith.select %eq3A_433, %iota3A, %broadcast_in_dim3A_435 : vector<16x20480xi1>, vector<16x20480xi32>
    %reduce_min3A_437 = arith.constant dense<2147483647> : vector<16xi32>
    %reduce_min3A_438 = vector.multi_reduction <minsi>, %select_n3A_436, %reduce_min3A_437 [1] : vector<16x20480xi32> to vector<16xi32>
    %broadcast_in_dim3A_439 = vector.shape_cast %reduce_min3A_438 : vector<16xi32> to vector<16x1xi32>
    %eq3A_440 = vector.broadcast %broadcast_in_dim3A_439 : vector<16x1xi32> to vector<16x20480xi32>
    %eq3A_441 = arith.cmpi eq, %iota3A, %eq3A_440 : vector<16x20480xi32>
    %jit3A_442 = arith.constant 0.000000e+00 : f32
    %broadcast_in_dim3A_443 = vector.broadcast %jit3A_442 : f32 to vector<16x20480xf32>
    %select_n3A_444 = arith.select %eq3A_441, %get3A_1, %broadcast_in_dim3A_443 : vector<16x20480xi1>, vector<16x20480xf32>
    %reduce_sum3A_445 = arith.constant dense<0.000000e+00> : vector<16xf32>
    %reduce_sum3A_446 = vector.multi_reduction <add>, %select_n3A_444, %reduce_sum3A_445 [1] : vector<16x20480xf32> to vector<16xf32>
    %broadcast_in_dim3A_447 = vector.shape_cast %reduce_sum3A_446 : vector<16xf32> to vector<16x1xf32>
    %jit3A_448 = arith.constant 0.000000e+00 : f32
    %broadcast_in_dim3A_449 = vector.broadcast %jit3A_448 : f32 to vector<16x20480xf32>
    %select_n3A_450 = arith.select %eq3A_441, %get3A_4, %broadcast_in_dim3A_449 : vector<16x20480xi1>, vector<16x20480xf32>
    %reduce_sum3A_451 = arith.constant dense<0.000000e+00> : vector<16xf32>
    %reduce_sum3A_452 = vector.multi_reduction <add>, %select_n3A_450, %reduce_sum3A_451 [1] : vector<16x20480xf32> to vector<16xf32>
    %broadcast_in_dim3A_453 = vector.shape_cast %reduce_sum3A_452 : vector<16xf32> to vector<16x1xf32>
    %sub3A_454 = vector.broadcast %broadcast_in_dim3A_447 : vector<16x1xf32> to vector<16x20480xf32>
    %sub3A_455 = arith.subf %get3A_1, %sub3A_454 : vector<16x20480xf32>
    %sub3A_456 = vector.broadcast %broadcast_in_dim3A_453 : vector<16x1xf32> to vector<16x20480xf32>
    %sub3A_457 = arith.subf %get3A_4, %sub3A_456 : vector<16x20480xf32>
    %mul3A_458 = arith.mulf %sub3A_455, %sub3A_455 : vector<16x20480xf32>
    %mul3A_459 = arith.mulf %sub3A_457, %sub3A_457 : vector<16x20480xf32>
    %add3A_460 = arith.addf %mul3A_458, %mul3A_459 : vector<16x20480xf32>
    %add3A_461 = arith.constant 9.99999996E-13 : f32
    %add3A_462 = vector.broadcast %add3A_461 : f32 to vector<16x20480xf32>
    %add3A_463 = arith.addf %add3A_460, %add3A_462 : vector<16x20480xf32>
    %sqrt3A_464 = math.sqrt %add3A_463 : vector<16x20480xf32>
    %lt3A_465 = arith.constant 2.000000e+00 : f32
    %lt3A_466 = vector.broadcast %lt3A_465 : f32 to vector<16x20480xf32>
    %lt3A_467 = arith.cmpf olt, %sqrt3A_464, %lt3A_466 : vector<16x20480xf32>
    %jit3A_468 = arith.constant 0xFF800000 : f32
    %broadcast_in_dim3A_469 = vector.broadcast %jit3A_468 : f32 to vector<16x20480xf32>
    %select_n3A_470 = arith.select %lt3A_467, %broadcast_in_dim3A_469, %select_n3A_428 : vector<16x20480xi1>, vector<16x20480xf32>
    %reduce_max3A_471 = arith.constant dense<0xFF800000> : vector<16xf32>
    %reduce_max3A_472 = vector.multi_reduction <maximumf>, %select_n3A_470, %reduce_max3A_471 [1] : vector<16x20480xf32> to vector<16xf32>
    %broadcast_in_dim3A_473 = vector.shape_cast %reduce_max3A_472 : vector<16xf32> to vector<16x1xf32>
    %eq3A_474 = vector.broadcast %broadcast_in_dim3A_473 : vector<16x1xf32> to vector<16x20480xf32>
    %eq3A_475 = arith.cmpf oeq, %select_n3A_470, %eq3A_474 : vector<16x20480xf32>
    %jit3A_476 = arith.constant 1073741824 : i32
    %broadcast_in_dim3A_477 = vector.broadcast %jit3A_476 : i32 to vector<16x20480xi32>
    %select_n3A_478 = arith.select %eq3A_475, %iota3A, %broadcast_in_dim3A_477 : vector<16x20480xi1>, vector<16x20480xi32>
    %reduce_min3A_479 = arith.constant dense<2147483647> : vector<16xi32>
    %reduce_min3A_480 = vector.multi_reduction <minsi>, %select_n3A_478, %reduce_min3A_479 [1] : vector<16x20480xi32> to vector<16xi32>
    %broadcast_in_dim3A_481 = vector.shape_cast %reduce_min3A_480 : vector<16xi32> to vector<16x1xi32>
    %eq3A_482 = vector.broadcast %broadcast_in_dim3A_481 : vector<16x1xi32> to vector<16x20480xi32>
    %eq3A_483 = arith.cmpi eq, %iota3A, %eq3A_482 : vector<16x20480xi32>
    %jit3A_484 = arith.constant 0.000000e+00 : f32
    %broadcast_in_dim3A_485 = vector.broadcast %jit3A_484 : f32 to vector<16x20480xf32>
    %select_n3A_486 = arith.select %eq3A_483, %get3A_1, %broadcast_in_dim3A_485 : vector<16x20480xi1>, vector<16x20480xf32>
    %reduce_sum3A_487 = arith.constant dense<0.000000e+00> : vector<16xf32>
    %reduce_sum3A_488 = vector.multi_reduction <add>, %select_n3A_486, %reduce_sum3A_487 [1] : vector<16x20480xf32> to vector<16xf32>
    %broadcast_in_dim3A_489 = vector.shape_cast %reduce_sum3A_488 : vector<16xf32> to vector<16x1xf32>
    %jit3A_490 = arith.constant 0.000000e+00 : f32
    %broadcast_in_dim3A_491 = vector.broadcast %jit3A_490 : f32 to vector<16x20480xf32>
    %select_n3A_492 = arith.select %eq3A_483, %get3A_4, %broadcast_in_dim3A_491 : vector<16x20480xi1>, vector<16x20480xf32>
    %reduce_sum3A_493 = arith.constant dense<0.000000e+00> : vector<16xf32>
    %reduce_sum3A_494 = vector.multi_reduction <add>, %select_n3A_492, %reduce_sum3A_493 [1] : vector<16x20480xf32> to vector<16xf32>
    %broadcast_in_dim3A_495 = vector.shape_cast %reduce_sum3A_494 : vector<16xf32> to vector<16x1xf32>
    %sub3A_496 = vector.broadcast %broadcast_in_dim3A_489 : vector<16x1xf32> to vector<16x20480xf32>
    %sub3A_497 = arith.subf %get3A_1, %sub3A_496 : vector<16x20480xf32>
    %sub3A_498 = vector.broadcast %broadcast_in_dim3A_495 : vector<16x1xf32> to vector<16x20480xf32>
    %sub3A_499 = arith.subf %get3A_4, %sub3A_498 : vector<16x20480xf32>
    %mul3A_500 = arith.mulf %sub3A_497, %sub3A_497 : vector<16x20480xf32>
    %mul3A_501 = arith.mulf %sub3A_499, %sub3A_499 : vector<16x20480xf32>
    %add3A_502 = arith.addf %mul3A_500, %mul3A_501 : vector<16x20480xf32>
    %add3A_503 = arith.constant 9.99999996E-13 : f32
    %add3A_504 = vector.broadcast %add3A_503 : f32 to vector<16x20480xf32>
    %add3A_505 = arith.addf %add3A_502, %add3A_504 : vector<16x20480xf32>
    %sqrt3A_506 = math.sqrt %add3A_505 : vector<16x20480xf32>
    %lt3A_507 = arith.constant 2.000000e+00 : f32
    %lt3A_508 = vector.broadcast %lt3A_507 : f32 to vector<16x20480xf32>
    %lt3A_509 = arith.cmpf olt, %sqrt3A_506, %lt3A_508 : vector<16x20480xf32>
    %jit3A_510 = arith.constant 0xFF800000 : f32
    %broadcast_in_dim3A_511 = vector.broadcast %jit3A_510 : f32 to vector<16x20480xf32>
    %select_n3A_512 = arith.select %lt3A_509, %broadcast_in_dim3A_511, %select_n3A_470 : vector<16x20480xi1>, vector<16x20480xf32>
    %reduce_max3A_513 = arith.constant dense<0xFF800000> : vector<16xf32>
    %reduce_max3A_514 = vector.multi_reduction <maximumf>, %select_n3A_512, %reduce_max3A_513 [1] : vector<16x20480xf32> to vector<16xf32>
    %broadcast_in_dim3A_515 = vector.shape_cast %reduce_max3A_514 : vector<16xf32> to vector<16x1xf32>
    %eq3A_516 = vector.broadcast %broadcast_in_dim3A_515 : vector<16x1xf32> to vector<16x20480xf32>
    %eq3A_517 = arith.cmpf oeq, %select_n3A_512, %eq3A_516 : vector<16x20480xf32>
    %jit3A_518 = arith.constant 1073741824 : i32
    %broadcast_in_dim3A_519 = vector.broadcast %jit3A_518 : i32 to vector<16x20480xi32>
    %select_n3A_520 = arith.select %eq3A_517, %iota3A, %broadcast_in_dim3A_519 : vector<16x20480xi1>, vector<16x20480xi32>
    %reduce_min3A_521 = arith.constant dense<2147483647> : vector<16xi32>
    %reduce_min3A_522 = vector.multi_reduction <minsi>, %select_n3A_520, %reduce_min3A_521 [1] : vector<16x20480xi32> to vector<16xi32>
    %broadcast_in_dim3A_523 = vector.shape_cast %reduce_min3A_522 : vector<16xi32> to vector<16x1xi32>
    %eq3A_524 = vector.broadcast %broadcast_in_dim3A_523 : vector<16x1xi32> to vector<16x20480xi32>
    %eq3A_525 = arith.cmpi eq, %iota3A, %eq3A_524 : vector<16x20480xi32>
    %jit3A_526 = arith.constant 0.000000e+00 : f32
    %broadcast_in_dim3A_527 = vector.broadcast %jit3A_526 : f32 to vector<16x20480xf32>
    %select_n3A_528 = arith.select %eq3A_525, %get3A_1, %broadcast_in_dim3A_527 : vector<16x20480xi1>, vector<16x20480xf32>
    %reduce_sum3A_529 = arith.constant dense<0.000000e+00> : vector<16xf32>
    %reduce_sum3A_530 = vector.multi_reduction <add>, %select_n3A_528, %reduce_sum3A_529 [1] : vector<16x20480xf32> to vector<16xf32>
    %broadcast_in_dim3A_531 = vector.shape_cast %reduce_sum3A_530 : vector<16xf32> to vector<16x1xf32>
    %jit3A_532 = arith.constant 0.000000e+00 : f32
    %broadcast_in_dim3A_533 = vector.broadcast %jit3A_532 : f32 to vector<16x20480xf32>
    %select_n3A_534 = arith.select %eq3A_525, %get3A_4, %broadcast_in_dim3A_533 : vector<16x20480xi1>, vector<16x20480xf32>
    %reduce_sum3A_535 = arith.constant dense<0.000000e+00> : vector<16xf32>
    %reduce_sum3A_536 = vector.multi_reduction <add>, %select_n3A_534, %reduce_sum3A_535 [1] : vector<16x20480xf32> to vector<16xf32>
    %broadcast_in_dim3A_537 = vector.shape_cast %reduce_sum3A_536 : vector<16xf32> to vector<16x1xf32>
    %broadcast_in_dim3A_538 = arith.constant 0.000000e+00 : f32
    %broadcast_in_dim3A_539 = vector.broadcast %broadcast_in_dim3A_538 : f32 to vector<16x1xf32>
    %concatenate3A = tpu.concatenate %add3A_284, %broadcast_in_dim3A_302, %broadcast_in_dim3A_305, %broadcast_in_dim3A_347, %broadcast_in_dim3A_389, %broadcast_in_dim3A_431, %broadcast_in_dim3A_473, %broadcast_in_dim3A_515, %broadcast_in_dim3A_321, %broadcast_in_dim3A_363, %broadcast_in_dim3A_405, %broadcast_in_dim3A_447, %broadcast_in_dim3A_489, %broadcast_in_dim3A_531, %broadcast_in_dim3A_327, %broadcast_in_dim3A_369, %broadcast_in_dim3A_411, %broadcast_in_dim3A_453, %broadcast_in_dim3A_495, %broadcast_in_dim3A_537, %broadcast_in_dim3A_539, %broadcast_in_dim3A_539, %broadcast_in_dim3A_539, %broadcast_in_dim3A_539 in 1 : vector<16x1xf32>, vector<16x1xf32>, vector<16x1xf32>, vector<16x1xf32>, vector<16x1xf32>, vector<16x1xf32>, vector<16x1xf32>, vector<16x1xf32>, vector<16x1xf32>, vector<16x1xf32>, vector<16x1xf32>, vector<16x1xf32>, vector<16x1xf32>, vector<16x1xf32>, vector<16x1xf32>, vector<16x1xf32>, vector<16x1xf32>, vector<16x1xf32>, vector<16x1xf32>, vector<16x1xf32>, vector<16x1xf32>, vector<16x1xf32>, vector<16x1xf32>, vector<16x1xf32> -> vector<16x24xf32>
    %swap3A = arith.constant 0 : index
    %swap3A_540 = arith.constant 0 : index
    %swap3A_541 = vector.load %arg5[%swap3A, %swap3A_540] : memref<16x24xf32, #tpu.memory_space<vmem>>, vector<16x24xf32>
    tpu.vector_store %arg5[%swap3A, %swap3A_540], %concatenate3A {strides = array<i32>} : memref<16x24xf32, #tpu.memory_space<vmem>>, vector<16x24xf32>,
    %iota3A_542 = tpu.iota {dimensions = array<i32: 0>} : vector<16x1xi32>
    %mul3A_543 = arith.constant 20000 : i32
    %mul3A_544 = vector.broadcast %mul3A_543 : i32 to vector<16x1xi32>
    %mul3A_545 = arith.muli %iota3A_542, %mul3A_544 : vector<16x1xi32>
    %broadcast_in_dim3A_546 = arith.constant 0 : i32
    %broadcast_in_dim3A_547 = vector.broadcast %broadcast_in_dim3A_546 : i32 to vector<16x1xi32>
    %add3A_548 = arith.addi %broadcast_in_dim3A_40, %mul3A_545 : vector<16x1xi32>
    %add3A_549 = arith.addi %broadcast_in_dim3A_313, %mul3A_545 : vector<16x1xi32>
    %add3A_550 = arith.addi %broadcast_in_dim3A_355, %mul3A_545 : vector<16x1xi32>
    %add3A_551 = arith.addi %broadcast_in_dim3A_397, %mul3A_545 : vector<16x1xi32>
    %add3A_552 = arith.addi %broadcast_in_dim3A_439, %mul3A_545 : vector<16x1xi32>
    %add3A_553 = arith.addi %broadcast_in_dim3A_481, %mul3A_545 : vector<16x1xi32>
    %add3A_554 = arith.addi %broadcast_in_dim3A_523, %mul3A_545 : vector<16x1xi32>
    %concatenate3A_555 = tpu.concatenate %add3A_548, %add3A_549, %add3A_550, %add3A_551, %add3A_552, %add3A_553, %add3A_554, %broadcast_in_dim3A_547, %broadcast_in_dim3A_547, %broadcast_in_dim3A_547, %broadcast_in_dim3A_547, %broadcast_in_dim3A_547, %broadcast_in_dim3A_547, %broadcast_in_dim3A_547, %broadcast_in_dim3A_547, %broadcast_in_dim3A_547 in 1 : vector<16x1xi32>, vector<16x1xi32>, vector<16x1xi32>, vector<16x1xi32>, vector<16x1xi32>, vector<16x1xi32>, vector<16x1xi32>, vector<16x1xi32>, vector<16x1xi32>, vector<16x1xi32>, vector<16x1xi32>, vector<16x1xi32>, vector<16x1xi32>, vector<16x1xi32>, vector<16x1xi32>, vector<16x1xi32> -> vector<16x16xi32>
    %swap3A_556 = arith.constant 0 : index
    %swap3A_557 = arith.constant 0 : index
    %swap3A_558 = vector.load %arg6[%swap3A_556, %swap3A_557] : memref<16x16xi32, #tpu.memory_space<vmem>>, vector<16x16xi32>
    tpu.vector_store %arg6[%swap3A_556, %swap3A_557], %concatenate3A_555 {strides = array<i32>} : memref<16x16xi32, #tpu.memory_space<vmem>>, vector<16x16xi32>,
    return
  }
}

</mosaic_0001>

<sc_bundles>
// kernel: kernel.4.cloned.1.call-start
scs
__scs_entry_jumppad:
0x0: {  	(pc) =	sbr.rel $0x88, $3  }
0x1: {  	(tag) =	ssettag $0x0;
	lr =	simm.s32 $0x1  }
0x2: {  	[smem:$0x3F9C] =	sst lr;
	_ =	strace $0xD0000000  }
0x3: {  	_ = 	snop  }
0x4: {  	_ = 	snop  }
0x5: {  	_ = 	snop  }
0x6: {  	_ = 	snop  }
0x7: {  	_ = 	snop  }
__scs_overlays_trampoline_lowered:
0x8: {  	[smem:$0x3FAB] =	sst s0  }
0x9: {  	[smem:$0x3FAC] =	sst s1  }
0xa: {  	[smem:$0x3FAD] =	sst s2  }
0xb: {  	[smem:$0x3FAE] =	sst s3  }
0xc: {  	[smem:$0x3FAF] =	sst s4  }
0xd: {  	[smem:$0x3FB0] =	sst s5  }
0xe: {  	[smem:$0x3FB1] =	sst s6  }
0xf: {  	[smem:$0x3FB2] =	sst s7  }
0x10: {  	[smem:$0x3FB3] =	sst s8  }
0x11: {  	[smem:$0x3FB4] =	sst s9;
	s0 =	simm.s32 @!p0 $0x0  }
0x12: {  	s1 =	sld [smem:$0x3F9A];
	s0 =	simm.s32 @p0 $0x1  }
0x13: {  	[smem:$0x3FB5] =	sst s0;
	s0 =	simm.s32 @!p1 $0x0  }
0x14: {  	s2 =	sld [smem:$0x3F99];
	s0 =	simm.s32 @p1 $0x1  }
0x15: {  	[smem:$0x3FB6] =	sst s0;
	s0 =	simm.s32 @!p2 $0x0  }
0x16: {  	s3 =	sld [smem:$0x3FDB];
	s0 =	simm.s32 @p2 $0x1  }
0x17: {  	s4 =	simm.s32 $0x1BF5;
	[smem:$0x3FB8] =	sst s0  }
0x18: {  	s0 =	sld [smem:$0x3F9B];
	_ =	swait.ge [sflag:s4], $0x0  }
0x19: {  	s7 =	sld [smem:$0x3F9C]  }
0x1a: {  	s8 =	sadd.s32 $0xFFFFE003, lr  }
0x1b: {  	s9 =	sadd.s32 $0xFFFFFEF7, lr;
	s5 =	simm.s32 $0xFFFFFFFF;
	p2 =	slt.u32 s8, $0xFFFFF086  }
0x1c: {  	p1 =	slt.u32 s9, $0xF7A;
	s5 =	simm.s32 @!p2 $0x0  }
0x1d: {  	s5 =	simm.s32 @p1 $0x1;
	p0 =	seq.s32 s7, s2  }
0x1e: {  	s7 =	smul.u32 @!p0 $0xF7A, s2;
	p2 =	seq.s32 @!p0 s5, $0x0  }
0x1f: {  	s9 =	smul.u32 $0xF7A, s1;
	s8 =	simm.s32 @!p0 $0x1BF5;
	p2 =	por !p2, p0  }
0x20: {  	[sflag:s8] =	ssyncset.s32 @!p0 $0xFFFFF086;
	s6 =	sadd.s32 @!p0 s3, s7;
	s7 =	simm.s32 @!p0 $0x108  }
0x21: {  	s3 =	sadd.s32 s3, s9;
	s6 =	sadd.s32 @!p0 $0x88, s6;
	s7 =	simm.s32 @p2 $0x1082  }
0x22: {  	[simem:s7], [sflag:s8] =	dma.local @!p0 [hbm:s6], $0xF7A  }
0x23: {  	s9 =	sor.u32 $0xD0000000, s2;
	s6 =	simm.s32 $0x108;
	_ =	swait.ge @!p0 [sflag:s8], $0x0  }
0x24: {  	s3 =	sadd.s32 $0x88, s3;
	s6 =	simm.s32 @!p1 $0x1082;
	[sflag:s4] =	ssyncset.s32 $0xFFFFF086  }
0x25: {  	[simem:s6], [sflag:s4] =	dma.local [hbm:s3], $0xF7A  }
0x26: {  	[smem:$0x3F9C] =	sst s1;
	(tag) =	ssettag s2;
	_ =	strace s9  }
0x27: {  	s1 =	sld [smem:$0x3FAC]  }
0x28: {  	s2 =	sld [smem:$0x3FAD]  }
0x29: {  	s4 =	sld [smem:$0x3FAF]  }
0x2a: {  	p0 =	seq.s32 s5, $0x0;
	s5 =	sld [smem:$0x3FB0]  }
0x2b: {  	s6 =	sld [smem:$0x3FB1]  }
0x2c: {  	s7 =	sld [smem:$0x3FB2]  }
0x2d: {  	s3 =	simm.s32 $0x108;
	s8 =	sld [smem:$0x3FB3]  }
0x2e: {  	s3 =	simm.s32 @!p0 $0x1082;
	s9 =	sld [smem:$0x3FB4]  }
0x2f: {  	lr =	sadd.s32 s0, s3;
	s0 =	sld [smem:$0x3FAB]  }
0x30: {  	s3 =	sld [smem:$0x3FAE]  }
0x31: {  	[smem:$0x3FB7] =	sst s10  }
0x32: {  	s10 =	sld [smem:$0x3FB5];
	_ =	sdelay $0x3  }
0x33: {  	p0 =	seq.s32 s10, $0x1;
	s10 =	sld [smem:$0x3FB7];
	_ =	sdelay $0x3  }
0x34: {  	[smem:$0x3FB7] =	sst s10  }
0x35: {  	s10 =	sld [smem:$0x3FB6];
	_ =	sdelay $0x3  }
0x36: {  	p1 =	seq.s32 s10, $0x1;
	s10 =	sld [smem:$0x3FB7];
	_ =	sdelay $0x3  }
0x37: {  	[smem:$0x3FB7] =	sst s10  }
0x38: {  	s10 =	sld [smem:$0x3FB8]  }
0x39: {  	_ = 	snop;
	(pc) =	sbr.ind lr, $3  }
0x3a: {  	_ = 	snop  }
0x3b: {  	_ = 	snop  }
0x3c: {  	p2 =	seq.s32 s10, $0x1;
	s10 =	sld [smem:$0x3FB7]  }
0x3d: {  	_ =	shalt  }
0x3e: {  	_ =	shalt  }
0x3f: {  	_ =	shalt  }
0x40: {  	_ =	shalt  }
0x41: {  	_ =	shalt  }
0x42: {  	_ =	shalt  }
0x43: {  	_ =	shalt  }
0x44: {  	_ =	shalt  }
0x45: {  	_ =	shalt  }
0x46: {  	_ =	shalt  }
0x47: {  	_ =	shalt  }
0x48: {  	_ =	shalt  }
0x49: {  	_ =	shalt  }
0x4a: {  	_ =	shalt  }
0x4b: {  	_ =	shalt  }
0x4c: {  	_ =	shalt  }
0x4d: {  	_ =	shalt  }
0x4e: {  	_ =	shalt  }
0x4f: {  	_ =	shalt  }
0x50: {  	_ =	shalt  }
0x51: {  	_ =	shalt  }
0x52: {  	_ =	shalt  }
0x53: {  	_ =	shalt  }
0x54: {  	_ =	shalt  }
0x55: {  	_ =	shalt  }
0x56: {  	_ =	shalt  }
0x57: {  	_ =	shalt  }
0x58: {  	_ =	shalt  }
0x59: {  	_ =	shalt  }
0x5a: {  	_ =	shalt  }
0x5b: {  	_ =	shalt  }
0x5c: {  	_ =	shalt  }
0x5d: {  	_ =	shalt  }
0x5e: {  	_ =	shalt  }
0x5f: {  	_ =	shalt  }
0x60: {  	_ =	shalt  }
0x61: {  	_ =	shalt  }
0x62: {  	_ =	shalt  }
0x63: {  	_ =	shalt  }
0x64: {  	_ =	shalt  }
0x65: {  	_ =	shalt  }
0x66: {  	_ =	shalt  }
0x67: {  	_ =	shalt  }
0x68: {  	_ =	shalt  }
0x69: {  	_ =	shalt  }
0x6a: {  	_ =	shalt  }
0x6b: {  	_ =	shalt  }
0x6c: {  	_ =	shalt  }
0x6d: {  	_ =	shalt  }
0x6e: {  	_ =	shalt  }
0x6f: {  	_ =	shalt  }
0x70: {  	_ =	shalt  }
0x71: {  	_ =	shalt  }
0x72: {  	_ =	shalt  }
0x73: {  	_ =	shalt  }
0x74: {  	_ =	shalt  }
0x75: {  	_ =	shalt  }
0x76: {  	_ =	shalt  }
0x77: {  	_ =	shalt  }
0x78: {  	_ =	shalt  }
0x79: {  	_ =	shalt  }
0x7a: {  	_ =	shalt  }
0x7b: {  	_ =	shalt  }
0x7c: {  	_ =	shalt  }
0x7d: {  	_ =	shalt  }
0x7e: {  	_ =	shalt  }
0x7f: {  	_ =	shalt  }
0x80: {  	_ =	shalt  }
0x81: {  	_ =	shalt  }
0x82: {  	_ =	shalt  }
0x83: {  	_ =	shalt  }
0x84: {  	_ =	shalt  }
0x85: {  	_ =	shalt  }
0x86: {  	_ =	shalt  }
0x87: {  	_ =	shalt  }
.Lfunc_end0:
.L_simem_size_0:
called_computation.1_lowered:
.L_overlay_start_0:
0x88: {  	s2 =	sld [smem:$0x3FD9]  }
0x89: {  	s3 =	sld [smem:$0x3FFE];
	_ =	sdelay $0x1  }
0x8a: {  	s1 =	srdreg.scid  }
0x8b: {  	s0 =	sand.u32 $0x1, s1  }
0x8c: {  	s14 =	sshll.u32 s0, $0xA;
	s2 =	sadd.s32 s3, s2  }
0x8d: {  	s2 =	sadd.s32 s2, s14  }
0x8e: {  	[smem:$0x3FC3] =	sst s2  }
0x8f: {  	_ = 	snop  }
0x90: {  	s2 =	sld [smem:$0x3FD0];
	_ =	sdelay $0x2  }
0x91: {  	s15 =	simm.s32 $0xA;
	s4 =	simm.s32 $0x10  }
0x92: {  	[smem:s4], [sflag:s15] =	dma.local [hbm:s2], $0x1  }
0x93: {  	_ =	swait.eq [sflag:s15], $0x1  }
0x94: {  	[sflag:s15] =	ssyncset.done $0x0  }
0x95: {  	[sflag:s15] =	ssyncadd.s32 $0xFFFFFFFF  }
0x96: {  	s16 =	sld [smem:$0x14];
	(tm) =	ssettm $0x1  }
0x97: {  	s17 =	sld [smem:$0x3FFB];
	_ =	sdelay $0x3  }
0x98: {  	_ =	strace s17  }
0x99: {  	s3 =	sld [smem:$0x3FFC];
	_ =	sdelay $0x3  }
0x9a: {  	_ =	strace s3  }
0x9b: {  	s3 =	sld [smem:$0x3FFD];
	_ =	sdelay $0x3  }
0x9c: {  	_ =	strace s3  }
0x9d: {  	_ =	strace $0x8FFFFFFF  }
0x9e: {  	s18 =	sld [smem:$0x3FDB];
	_ =	sdelay $0x1  }
0x9f: {  	s19 =	simm.s32 $_scs_section_size  }
0xa0: {  	s5 =	simm.s32 $_size__tile_overlayer_lowered;
	s6 =	simm.s32 $_tile_overlayer_lowered  }
0xa1: {  	s22 =	simm.s32 $0x1BFF;
	s21 =	sshll.u32 s6, $0x1;
	s3 =	sadd.s32 s19, s18  }
0xa2: {  	s7 =	simm.s32 $0x0;
	s20 =	sshll.u32 s5, $0x1;
	s5 =	sadd.s32 s21, s3  }
0xa3: {  	[timem:s7], [sflag:s22] =	dma.local [hbm:s5], s20  }
0xa4: {  	_ =	swait.ge [sflag:s22], s20  }
0xa5: {  	s4 =	ssub.s32 $0x0, s20;
	[sflag:s22] =	ssyncset.done $0x0  }
0xa6: {  	[sflag:s22] =	ssyncadd.s32 s4;
	_ =	sdelay $0x1  }
0xa7: {  	s23 =	simm.s32 $0x1B8B  }
0xa8: {  	_ =	swait.ge [sflag:s23], $0x1  }
0xa9: {  	[sflag:s23] =	ssyncset.done $0x0  }
0xaa: {  	s25 =	simm.s32 $0x1B8E;
	s24 =	sld [smem:$0x3FFE];
	[sflag:s23] =	ssyncadd.s32 $0xFFFFFFFF  }
0xab: {  	s26 =	simm.s32 $execute0_lowered;
	[smem:$0x3FD2] =	sst s25  }
0xac: {  	s5 =	sshll.u32 s26, $0x1;
	_ =	strace $0x80000049;
	[dreg:$0x1] =	wrdreg $0xFFFFFFFF  }
0xad: {  	s28 =	simm.s32 $_size_execute0_lowered;
	s3 =	sadd.s32 s3, s5;
	[dreg:$0x0] =	wrdreg $0x0  }
0xae: {  	s5 =	sshll.u32 s28, $0x1;
	[dreg:$0x2] =	wrdreg s3  }
0xaf: {  	[dreg:$0x3] =	wrdreg s5  }
0xb0: {  	[dreg:$0x4] =	wrdreg $0xC0  }
0xb1: {  	_ =	task [dreg:s7], $0x5FFFF  }
0xb2: {  	[dreg:$0x1] =	wrdreg $0xFFFFFFFF  }
0xb3: {  	[dreg:$0x0] =	wrdreg $0x60  }
0xb4: {  	[dreg:$0x2] =	wrdreg s24  }
0xb5: {  	[dreg:$0x3] =	wrdreg s16  }
0xb6: {  	[dreg:$0x4] =	wrdreg $0x9  }
0xb7: {  	_ =	task.clear_ibuf [dreg:s7], $0x5FFFF;
	_ =	strace $0x90000049  }
0xb8: {  	s29 =	simm.s32 $0x9;
	_ =	strace $0x8000004B  }
0xb9: {  	_ =	swait.ge [sflag:s29], $0x1  }
0xba: {  	[sflag:s29] =	ssyncadd.s32 $0xFFFFFFFF  }
0xbb: {  	_ =	strace $0x9000004B  }
0xbc: {  	_ =	sfence  }
0xbd: {  	s30 =	sld [smem:$0x0];
	_ =	sdelay $0x2  }
0xbe: {  	s31 =	sshll.u32 s1, $0xD;
	s1 =	sshrl.u32 s1, $0x2  }
0xbf: {  	s3 =	sand.u32 $0x4000, s31;
	s1 =	sadd.s32 s1, s30  }
0xc0: {  	s0 =	sor.u32 s3, s0;
	s1 =	sshll.u32 s1, $0x11  }
0xc1: {  	s0 =	sor.u32 s1, s0  }
0xc2: {  	s0 =	sadd.s32 $0x8F2B, s0  }
0xc3: {  	[sflag:s0] =	ssyncadd.remote.s32 $0x1  }
0xc4: {  	_ =	sfence.sel $0xFFFF  }
0xc5: {  	[dreg:$0x0] =	wrdreg $0xFFFFFFFF;
	(pc) =	sbr.abs _section_cstart, $3  }
0xc6: {  	[dreg:$0x1] =	wrdreg $0xFFFFFFFF  }
0xc7: {  	_ =	task.clear_ibuf [dreg:s7], $0x2FFFF;
	_ =	strace $0x9FFFFFFF  }
0xc8: {  	(tm) =	ssettm $0x7FFFFFFF  }
0xc9: {  	_ =	shalt  }
tec
execute0_lowered:
.L_overlay_start_1:
0x0: {  	(tag) =	ssettag $0x1  }
0x1: {  	s1 =	stileid.u32  }
0x2: {  	p0 =	sgt.u32 s1, $0x7  }
.Ltmp0:
0x3: {  	_ = 	snop;
	(pc) =	sbr.rel @p0 .LBB2_4-.Ltmp0, $4  }
0x4: {  	s4 =	rddreg [dreg:$0x0]  }
0x5: {  	s3 =	rddreg [dreg:$0x1];
	s2 =	simm.s32 $0x0  }
0x6: {  	[smem:$0x7FF] =	sst s2  }
0x7: {  	s0 =	rddreg [dreg:$0x2];
	_ =	strace $0x8000004A  }
0x8: {  	s10 =	simm.s32 $0x90  }
0x9: {  	s11 =	simm.s32 $0xD0;
	[dreg:$0x9] =	wrdreg s10  }
0xa: {  	s5 =	srdreg.scid;
	s12 =	simm.s32 $0x110;
	[dreg:$0xa] =	wrdreg s11  }
0xb: {  	s29 =	sshll.u32 s1, $0x1;
	s13 =	simm.s32 $0x150;
	[dreg:$0xb] =	wrdreg s12  }
0xc: {  	s14 =	simm.s32 $0x190;
	s7 =	sand.u32 $0x1, s5;
	[dreg:$0xc] =	wrdreg s13  }
0xd: {  	s16 =	simm.s32 $0x250;
	[dreg:$0xd] =	wrdreg s14;
	s5 =	sor.u32 s7, s29  }
0xe: {  	s6 =	sshll.u32 s5, $0x3;
	s8 =	sshll.u32 s5, $0x1;
	s5 =	sshll.u32 s5, $0x6  }
0xf: {  	[dreg:$0xe] =	wrdreg s16;
	s6 =	sadd.s32 s6, s4;
	s3 =	sadd.s32 s3, s5  }
0x10: {  	s9 =	sadd.s32 s8, s4;
	s6 =	sadd.s32 $0x1A00, s6;
	[dreg:$0x4] =	wrdreg s3  }
0x11: {  	s31 =	sadd.s32 $0x272C00, s9;
	[dreg:$0x3] =	wrdreg s6  }
0x12: {  	s30 =	sadd.s32 $0x1800, s4;
	s9 =	simm.s32 $0x50;
	[dreg:$0x5] =	wrdreg s31  }
0x13: {  	s6 =	sadd.s32 s30, s8;
	[dreg:$0x8] =	wrdreg s9  }
0x14: {  	s8 =	simm.s32 $0x210;
	[dreg:$0x6] =	wrdreg s6  }
0x15: {  	[dreg:$0x7] =	wrdreg s8  }
0x16: {  	s3 =	simm.s32 $0x2;
	s15 =	rddreg [dreg:$0x6]  }
0x17: {  	[tilespmem:s2], [sflag:$0x2] =	stream.linear.gather [hbm4b:s15+s2], $0x10, $0x38;
	[tilespmem:$0x260] =	vst v63  }
0x18: {  	_ =	swait.ge [sflag:s3], $0x10  }
0x19: {  	s17 =	rddreg [dreg:$0x3];
	[sflag:s3] =	ssyncset.done $0x0  }
0x1a: {  	s18 =	rddreg [dreg:$0x7];
	[sflag:s3] =	ssyncadd.s32 $0xFFFFFFF0  }
0x1b: {  	[tilespmem:s18], [sflag:$0x2] =	stream.linear.gather [hbm4b:s17+s2], $0x40, $0x38;
	[tilespmem:$0x260] =	vst v63  }
0x1c: {  	_ =	swait.ge [sflag:s3], $0x40  }
0x1d: {  	[sflag:s3] =	ssyncset.done $0x0  }
0x1e: {  	[sflag:s3] =	ssyncadd.s32 $0xFFFFFFC0  }
0x1f: {  	v0 =	vld [tilespmem:$0x0];
	_ =	sdelay $0x4  }
0x20: {  	v0 =	vshll.u32 v0, $0x3  }
0x21: {  	(v2sf) =	vpush v0, $0x1  }
0x22: {  	(v2sf) =	vpush v0, $0x0;
	_ =	sdelay $0x1  }
0x23: {  	(v2sf) =	vpush v0, $0x2;
	_ =	sdelay $0x1  }
0x24: {  	(v2sf) =	vpush v0, $0x3;
	_ =	sdelay $0x1  }
0x25: {  	(v2sf) =	vpush v0, $0x4;
	_ =	sdelay $0x1  }
0x26: {  	(v2sf) =	vpush v0, $0x5;
	_ =	sdelay $0x1  }
0x27: {  	(v2sf) =	vpush v0, $0x6;
	_ =	sdelay $0x2  }
0x28: {  	s19 =	rddreg [dreg:$0xb]  }
0x29: {  	s21 =	rddreg [dreg:$0xa];
	s20 =	spop (v2sf)  }
0x2a: {  	s4 =	sadd.s32 $0x1C00, s4;
	s11 =	rddreg [dreg:$0x9];
	s10 =	spop (v2sf)  }
0x2b: {  	s5 =	simm.s32 $0x10;
	s13 =	rddreg [dreg:$0x8];
	s10 =	sand.u32 $0x1FFFFFF8, s10  }
0x2c: {  	s8 =	sand.u32 $0x1FFFFFF8, s20;
	s12 =	spop (v2sf);
	s10 =	sadd.s32 s4, s10  }
0x2d: {  	[tilespmem:s5], [sflag:$0x1] =	stream.linear.gather [hbm4b:s10+s2], $0x40, $0x38;
	[tilespmem:$0x260] =	vst v63  }
0x2e: {  	s8 =	sadd.s32 s4, s8;
	s14 =	spop (v2sf);
	s22 =	sand.u32 $0x1FFFFFF8, s12  }
0x2f: {  	[tilespmem:s13], [sflag:$0x1] =	stream.linear.gather [hbm4b:s8+s2], $0x40, $0x38;
	[tilespmem:$0x260] =	vst v63  }
0x30: {  	s23 =	spop (v2sf);
	s24 =	sand.u32 $0x1FFFFFF8, s14;
	s10 =	sadd.s32 s4, s22  }
0x31: {  	[tilespmem:s11], [sflag:$0x1] =	stream.linear.gather [hbm4b:s10+s2], $0x40, $0x38;
	[tilespmem:$0x260] =	vst v63  }
0x32: {  	s25 =	spop (v2sf);
	s26 =	sand.u32 $0x1FFFFFF8, s23;
	s8 =	sadd.s32 s4, s24  }
0x33: {  	[tilespmem:s21], [sflag:$0x1] =	stream.linear.gather [hbm4b:s8+s2], $0x40, $0x38;
	[tilespmem:$0x260] =	vst v63  }
0x34: {  	s28 =	sand.u32 $0x1FFFFFF8, s25;
	s29 =	spop (v2sf);
	s30 =	sadd.s32 s4, s26  }
0x35: {  	[tilespmem:s19], [sflag:$0x1] =	stream.linear.gather [hbm4b:s30+s2], $0x40, $0x38;
	[tilespmem:$0x260] =	vst v63  }
0x36: {  	s31 =	rddreg [dreg:$0xc];
	s11 =	sadd.s32 s4, s28;
	s8 =	sand.u32 $0x1FFFFFF8, s29  }
0x37: {  	[tilespmem:s31], [sflag:$0x1] =	stream.linear.gather [hbm4b:s11+s2], $0x40, $0x38;
	[tilespmem:$0x260] =	vst v63  }
0x38: {  	s6 =	simm.s32 $0x1;
	s12 =	rddreg [dreg:$0xd];
	s8 =	sadd.s32 s4, s8  }
0x39: {  	[tilespmem:s12], [sflag:$0x1] =	stream.linear.gather [hbm4b:s8+s2], $0x40, $0x38;
	[tilespmem:$0x260] =	vst v63  }
0x3a: {  	_ =	swait.ge [sflag:s6], $0x40  }
0x3b: {  	[sflag:s6] =	ssyncset.done $0x0  }
0x3c: {  	[sflag:s6] =	ssyncadd.s32 $0xFFFFFFC0  }
0x3d: {  	_ =	swait.ge [sflag:s6], $0x40  }
0x3e: {  	[sflag:s6] =	ssyncset.done $0x0  }
0x3f: {  	[sflag:s6] =	ssyncadd.s32 $0xFFFFFFC0  }
0x40: {  	_ =	swait.ge [sflag:s6], $0x40  }
0x41: {  	[sflag:s6] =	ssyncset.done $0x0  }
0x42: {  	[sflag:s6] =	ssyncadd.s32 $0xFFFFFFC0  }
0x43: {  	_ =	swait.ge [sflag:s6], $0x40  }
0x44: {  	[sflag:s6] =	ssyncset.done $0x0  }
0x45: {  	[sflag:s6] =	ssyncadd.s32 $0xFFFFFFC0  }
0x46: {  	_ =	swait.ge [sflag:s6], $0x40  }
0x47: {  	[sflag:s6] =	ssyncset.done $0x0  }
0x48: {  	[sflag:s6] =	ssyncadd.s32 $0xFFFFFFC0  }
0x49: {  	_ =	swait.ge [sflag:s6], $0x40  }
0x4a: {  	[sflag:s6] =	ssyncset.done $0x0  }
0x4b: {  	[sflag:s6] =	ssyncadd.s32 $0xFFFFFFC0  }
0x4c: {  	_ =	swait.ge [sflag:s6], $0x40  }
0x4d: {  	[sflag:s6] =	ssyncset.done $0x0  }
0x4e: {  	s13 =	rddreg [dreg:$0x4];
	[sflag:s6] =	ssyncadd.s32 $0xFFFFFFC0  }
0x4f: {  	[hbm4b:s13+s2] =	stream.linear.scatter [tilespmem:s5], [sflag:$0x2], $0x200, $0x38;
	[tilespmem:$0x260] =	vst v63  }
0x50: {  	_ =	swait.ge [sflag:s3], $0x200  }
0x51: {  	[sflag:s3] =	ssyncset.done $0x0  }
0x52: {  	[sflag:s3] =	ssyncadd.s32 $0xFFFFFE00  }
0x53: {  	v0 =	vld [tilespmem:$0x220]  }
0x54: {  	v1 =	vld [tilespmem:$0x210]  }
0x55: {  	v2 =	vld [tilespmem:$0x20]  }
0x56: {  	v3 =	vld [tilespmem:$0x10]  }
0x57: {  	v4 =	vld [tilespmem:$0x30]  }
0x58: {  	v5 =	vld [tilespmem:$0x230];
	_ =	sdelay $0x2  }
0x59: {  	v6 =	vld [tilespmem:$0x3C]  }
0x5a: {  	v0 =	vsub.f32 v2, v0;
	v2 =	vld [tilespmem:$0x23C];
	v1 =	vsub.f32 v3, v1  }
0x5b: {  	v4 =	vsub.f32 v4, v5  }
0x5c: {  	v3 =	vmul.f32 $5.000000000e-01, v0;
	v7 =	vand.u32 $0x7FFFFFFF, v1;
	v8 =	vmul.f32 $5.000000000e-01, v1  }
0x5d: {  	v61 =	vand.u32 $0x7FFFFFFF, v0;
	v62 =	vmul.f32 $5.000000000e-01, v4;
	v9 =	vadd.f32 $-5.000000000e-01, v7  }
0x5e: {  	v10 =	vadd.f32 $-5.000000000e-01, v61;
	vm1 =	vlt.f32 v7, $1.000000000e+00;
	v1 =	vmul.f32 v8, v1  }
0x5f: {  	vm2 =	vlt.f32 v61, $1.000000000e+00;
	v0 =	vmul.f32 v3, v0;
	v2 =	vsub.f32 v6, v2  }
0x60: {  	v3 =	vand.u32 $0x7FFFFFFF, v4;
	v4 =	vmul.f32 v62, v4;
	v1 =	vadd.f32 $0.0e+00, v1  }
0x61: {  	vm0 =	vlt.f32 v3, $1.000000000e+00;
	v3 =	vadd.f32 $-5.000000000e-01, v3;
	v63 =	vmul.f32 $5.000000000e-01, v2  }
0x62: {  	v0 =	vsel vm2, v0, v10;
	v6 =	vand.u32 $0x7FFFFFFF, v2;
	v1 =	vsel vm1, v1, v9  }
0x63: {  	v0 =	vadd.f32 v0, v1;
	v1 =	vmul.f32 v63, v2;
	v2 =	vadd.f32 $-5.000000000e-01, v6  }
0x64: {  	v3 =	vsel vm0, v4, v3;
	vm1 =	vlt.f32 v6, $1.000000000e+00  }
0x65: {  	vm0 =	vmmov $0xf;
	v0 =	vadd.f32 v3, v0;
	v1 =	vsel vm1, v1, v2  }
0x66: {  	v1 =	vsel vm0, $0x0, v1  }
0x67: {  	v0 =	vadd.f32 v1, v0;
	_ =	sdelay $0x1  }
0x68: {  	(v2sf) =	vpush v0, $0x0  }
0x69: {  	(v2sf) =	vpush v0, $0x1;
	_ =	sdelay $0x1  }
0x6a: {  	(v2sf) =	vpush v0, $0x2;
	_ =	sdelay $0x1  }
0x6b: {  	(v2sf) =	vpush v0, $0x3;
	_ =	sdelay $0x1  }
0x6c: {  	(v2sf) =	vpush v0, $0x4;
	_ =	sdelay $0x1  }
0x6d: {  	(v2sf) =	vpush v0, $0x5;
	_ =	sdelay $0x1  }
0x6e: {  	(v2sf) =	vpush v0, $0x6;
	_ =	sdelay $0x1  }
0x6f: {  	(v2sf) =	vpush v0, $0x7;
	_ =	sdelay $0x1  }
0x70: {  	s14 =	spop (v2sf);
	(v2sf) =	vpush v0, $0x8  }
0x71: {  	s15 =	spop (v2sf)  }
0x72: {  	(v2sf) =	vpush v0, $0x9;
	s8 =	sadd.f32 s15, s14  }
0x73: {  	s16 =	spop (v2sf)  }
0x74: {  	(v2sf) =	vpush v0, $0xA;
	s8 =	sadd.f32 s8, s16  }
0x75: {  	s17 =	spop (v2sf)  }
0x76: {  	(v2sf) =	vpush v0, $0xB;
	s8 =	sadd.f32 s8, s17  }
0x77: {  	s18 =	spop (v2sf)  }
0x78: {  	(v2sf) =	vpush v0, $0xC;
	s8 =	sadd.f32 s8, s18  }
0x79: {  	s19 =	spop (v2sf)  }
0x7a: {  	(v2sf) =	vpush v0, $0xD;
	s8 =	sadd.f32 s8, s19  }
0x7b: {  	s20 =	spop (v2sf)  }
0x7c: {  	(v2sf) =	vpush v0, $0xE;
	s8 =	sadd.f32 s8, s20  }
0x7d: {  	s21 =	spop (v2sf)  }
0x7e: {  	(v2sf) =	vpush v0, $0xF;
	s8 =	sadd.f32 s8, s21  }
0x7f: {  	s22 =	spop (v2sf)  }
0x80: {  	s8 =	sadd.f32 s8, s22  }
0x81: {  	s23 =	spop (v2sf)  }
0x82: {  	s8 =	sadd.f32 s8, s23  }
0x83: {  	s24 =	spop (v2sf)  }
0x84: {  	s8 =	sadd.f32 s8, s24  }
0x85: {  	s25 =	spop (v2sf)  }
0x86: {  	s8 =	sadd.f32 s8, s25  }
0x87: {  	s26 =	spop (v2sf)  }
0x88: {  	s8 =	sadd.f32 s8, s26  }
0x89: {  	s28 =	spop (v2sf)  }
0x8a: {  	s7 =	ssub.s32 $0x2, s7;
	s8 =	sadd.f32 s8, s28  }
0x8b: {  	s31 =	sshrl.u32 s7, $0x1;
	s29 =	spop (v2sf)  }
0x8c: {  	s7 =	ssub.s32 s7, s31;
	s8 =	sadd.f32 s8, s29  }
0x8d: {  	s7 =	smax.u32 s7, $0x1;
	s30 =	spop (v2sf)  }
0x8e: {  	p0 =	sne.s32 s7, $0x1;
	s8 =	sadd.f32 s8, s30  }
.Ltmp1:
0x8f: {  	_ = 	snop;
	(pc) =	sbr.rel @!p0 .LBB2_3-.Ltmp1, $3  }
0x90: {  	s8 =	smul.f32 $1.666666750e-02, s8;
	_ =	sdelay $0x1  }
0x91: {  	v0 =	vmov s8  }
0x92: {  	s7 =	sadd.s32 $0xFFFFFFFF, s7;
	v0 =	vadd.f32 $0.0e+00, v0  }
.LBB2_2:
0x93: {  	_ = 	snop  }
0x94: {  	v0 =	vbroadcast v0, $0x0  }
0x95: {  	s8 =	rddreg [dreg:$0xe]  }
0x96: {  	s9 =	rddreg [dreg:$0x5];
	[tilespmem:$0x250] =	vst v0  }
0x97: {  	[hbm4b:s9+s2] =	stream.linear.scatter [tilespmem:s8], [sflag:$0x2], $0x10, $0x38;
	[tilespmem:$0x260] =	vst v63  }
0x98: {  	_ =	swait.ge [sflag:s3], $0x10  }
0x99: {  	[sflag:s3] =	ssyncset.done $0x0  }
0x9a: {  	s16 =	rddreg [dreg:$0x6];
	[sflag:s3] =	ssyncadd.s32 $0xFFFFFFF0  }
0x9b: {  	[tilespmem:s2], [sflag:$0x2] =	stream.linear.gather [hbm4b:s16+s2], $0x10, $0x38;
	[tilespmem:$0x260] =	vst v63  }
0x9c: {  	_ =	swait.ge [sflag:s3], $0x10  }
0x9d: {  	[sflag:s3] =	ssyncset.done $0x0;
	s17 =	rddreg [dreg:$0x3]  }
0x9e: {  	s18 =	rddreg [dreg:$0x7];
	[sflag:s3] =	ssyncadd.s32 $0xFFFFFFF0  }
0x9f: {  	[tilespmem:s18], [sflag:$0x2] =	stream.linear.gather [hbm4b:s17+s2], $0x40, $0x38;
	[tilespmem:$0x260] =	vst v63  }
0xa0: {  	_ =	swait.ge [sflag:s3], $0x40  }
0xa1: {  	[sflag:s3] =	ssyncset.done $0x0  }
0xa2: {  	[sflag:s3] =	ssyncadd.s32 $0xFFFFFFC0  }
0xa3: {  	v0 =	vld [tilespmem:$0x0];
	_ =	sdelay $0x4  }
0xa4: {  	v0 =	vshll.u32 v0, $0x3  }
0xa5: {  	(v2sf) =	vpush v0, $0x1  }
0xa6: {  	(v2sf) =	vpush v0, $0x0;
	_ =	sdelay $0x1  }
0xa7: {  	(v2sf) =	vpush v0, $0x2;
	_ =	sdelay $0x1  }
0xa8: {  	(v2sf) =	vpush v0, $0x3;
	_ =	sdelay $0x1  }
0xa9: {  	(v2sf) =	vpush v0, $0x4;
	_ =	sdelay $0x1  }
0xaa: {  	(v2sf) =	vpush v0, $0x5;
	_ =	sdelay $0x1  }
0xab: {  	(v2sf) =	vpush v0, $0x6;
	_ =	sdelay $0x2  }
0xac: {  	s19 =	rddreg [dreg:$0xb]  }
0xad: {  	s20 =	rddreg [dreg:$0xa];
	s10 =	spop (v2sf)  }
0xae: {  	s11 =	rddreg [dreg:$0x9];
	s12 =	spop (v2sf)  }
0xaf: {  	s13 =	rddreg [dreg:$0x8];
	s12 =	sand.u32 $0x1FFFFFF8, s12  }
0xb0: {  	s10 =	sand.u32 $0x1FFFFFF8, s10;
	s14 =	spop (v2sf);
	s12 =	sadd.s32 s4, s12  }
0xb1: {  	[tilespmem:s5], [sflag:$0x1] =	stream.linear.gather [hbm4b:s12+s2], $0x40, $0x38;
	[tilespmem:$0x260] =	vst v63  }
0xb2: {  	s10 =	sadd.s32 s4, s10;
	s14 =	sand.u32 $0x1FFFFFF8, s14;
	s15 =	spop (v2sf)  }
0xb3: {  	[tilespmem:s13], [sflag:$0x1] =	stream.linear.gather [hbm4b:s10+s2], $0x40, $0x38;
	[tilespmem:$0x260] =	vst v63  }
0xb4: {  	s21 =	sand.u32 $0x1FFFFFF8, s15;
	s22 =	spop (v2sf);
	s23 =	sadd.s32 s4, s14  }
0xb5: {  	[tilespmem:s11], [sflag:$0x1] =	stream.linear.gather [hbm4b:s23+s2], $0x40, $0x38;
	[tilespmem:$0x260] =	vst v63  }
0xb6: {  	s24 =	sand.u32 $0x1FFFFFF8, s22;
	s25 =	spop (v2sf);
	s26 =	sadd.s32 s4, s21  }
0xb7: {  	[tilespmem:s20], [sflag:$0x1] =	stream.linear.gather [hbm4b:s26+s2], $0x40, $0x38;
	[tilespmem:$0x260] =	vst v63  }
0xb8: {  	s28 =	sand.u32 $0x1FFFFFF8, s25;
	s29 =	spop (v2sf);
	s30 =	sadd.s32 s4, s24  }
0xb9: {  	[tilespmem:s19], [sflag:$0x1] =	stream.linear.gather [hbm4b:s30+s2], $0x40, $0x38;
	[tilespmem:$0x260] =	vst v63  }
0xba: {  	s31 =	rddreg [dreg:$0xc];
	s12 =	sand.u32 $0x1FFFFFF8, s29;
	s9 =	sadd.s32 s4, s28  }
0xbb: {  	[tilespmem:s31], [sflag:$0x1] =	stream.linear.gather [hbm4b:s9+s2], $0x40, $0x38;
	[tilespmem:$0x260] =	vst v63  }
0xbc: {  	s11 =	rddreg [dreg:$0xd];
	s13 =	sadd.s32 s4, s12  }
0xbd: {  	[tilespmem:s11], [sflag:$0x1] =	stream.linear.gather [hbm4b:s13+s2], $0x40, $0x38;
	[tilespmem:$0x260] =	vst v63  }
0xbe: {  	_ =	swait.ge [sflag:s6], $0x40  }
0xbf: {  	[sflag:s6] =	ssyncset.done $0x0  }
0xc0: {  	[sflag:s6] =	ssyncadd.s32 $0xFFFFFFC0  }
0xc1: {  	_ =	swait.ge [sflag:s6], $0x40  }
0xc2: {  	[sflag:s6] =	ssyncset.done $0x0  }
0xc3: {  	[sflag:s6] =	ssyncadd.s32 $0xFFFFFFC0  }
0xc4: {  	_ =	swait.ge [sflag:s6], $0x40  }
0xc5: {  	[sflag:s6] =	ssyncset.done $0x0  }
0xc6: {  	[sflag:s6] =	ssyncadd.s32 $0xFFFFFFC0  }
0xc7: {  	_ =	swait.ge [sflag:s6], $0x40  }
0xc8: {  	[sflag:s6] =	ssyncset.done $0x0  }
0xc9: {  	[sflag:s6] =	ssyncadd.s32 $0xFFFFFFC0  }
0xca: {  	_ =	swait.ge [sflag:s6], $0x40  }
0xcb: {  	[sflag:s6] =	ssyncset.done $0x0  }
0xcc: {  	[sflag:s6] =	ssyncadd.s32 $0xFFFFFFC0  }
0xcd: {  	_ =	swait.ge [sflag:s6], $0x40  }
0xce: {  	[sflag:s6] =	ssyncset.done $0x0  }
0xcf: {  	[sflag:s6] =	ssyncadd.s32 $0xFFFFFFC0  }
0xd0: {  	_ =	swait.ge [sflag:s6], $0x40  }
0xd1: {  	[sflag:s6] =	ssyncset.done $0x0  }
0xd2: {  	s14 =	rddreg [dreg:$0x4];
	[sflag:s6] =	ssyncadd.s32 $0xFFFFFFC0  }
0xd3: {  	[hbm4b:s14+s2] =	stream.linear.scatter [tilespmem:s5], [sflag:$0x2], $0x200, $0x38;
	[tilespmem:$0x260] =	vst v63  }
0xd4: {  	_ =	swait.ge [sflag:s3], $0x200  }
0xd5: {  	[sflag:s3] =	ssyncset.done $0x0  }
0xd6: {  	[sflag:s3] =	ssyncadd.s32 $0xFFFFFE00  }
0xd7: {  	v0 =	vld [tilespmem:$0x220]  }
0xd8: {  	v1 =	vld [tilespmem:$0x210]  }
0xd9: {  	v2 =	vld [tilespmem:$0x20]  }
0xda: {  	v3 =	vld [tilespmem:$0x10]  }
0xdb: {  	v4 =	vld [tilespmem:$0x30]  }
0xdc: {  	v5 =	vld [tilespmem:$0x230];
	_ =	sdelay $0x2  }
0xdd: {  	v6 =	vld [tilespmem:$0x3C]  }
0xde: {  	v0 =	vsub.f32 v2, v0;
	v2 =	vld [tilespmem:$0x23C];
	v1 =	vsub.f32 v3, v1  }
0xdf: {  	v4 =	vsub.f32 v4, v5  }
0xe0: {  	v3 =	vand.u32 $0x7FFFFFFF, v0;
	v7 =	vmul.f32 $5.000000000e-01, v0;
	v9 =	vmul.f32 $5.000000000e-01, v1  }
0xe1: {  	v8 =	vand.u32 $0x7FFFFFFF, v1;
	v60 =	vand.u32 $0x7FFFFFFF, v4;
	v61 =	vmul.f32 $5.000000000e-01, v4  }
0xe2: {  	v59 =	vadd.f32 $-5.000000000e-01, v8;
	v10 =	vadd.f32 $-5.000000000e-01, v3;
	v1 =	vmul.f32 v9, v1  }
0xe3: {  	vm1 =	vlt.f32 v60, $1.000000000e+00;
	v62 =	vadd.f32 $-5.000000000e-01, v60;
	v2 =	vsub.f32 v6, v2  }
0xe4: {  	vm2 =	vlt.f32 v8, $1.000000000e+00;
	v0 =	vmul.f32 v7, v0;
	v1 =	vadd.f32 $0.0e+00, v1  }
0xe5: {  	vm3 =	vlt.f32 v3, $1.000000000e+00;
	v4 =	vmul.f32 v61, v4;
	v3 =	vmul.f32 $5.000000000e-01, v2  }
0xe6: {  	v0 =	vsel vm3, v0, v10;
	v63 =	vand.u32 $0x7FFFFFFF, v2;
	v1 =	vsel vm2, v1, v59  }
0xe7: {  	v0 =	vadd.f32 v0, v1;
	v1 =	vmul.f32 v3, v2;
	v2 =	vadd.f32 $-5.000000000e-01, v63  }
0xe8: {  	v3 =	vsel vm1, v4, v62;
	vm1 =	vlt.f32 v63, $1.000000000e+00  }
0xe9: {  	v0 =	vadd.f32 v3, v0;
	v1 =	vsel vm1, v1, v2  }
0xea: {  	v1 =	vsel vm0, $0x0, v1  }
0xeb: {  	v0 =	vadd.f32 v1, v0;
	_ =	sdelay $0x1  }
0xec: {  	(v2sf) =	vpush v0, $0x0  }
0xed: {  	(v2sf) =	vpush v0, $0x1;
	_ =	sdelay $0x1  }
0xee: {  	(v2sf) =	vpush v0, $0x2;
	_ =	sdelay $0x1  }
0xef: {  	(v2sf) =	vpush v0, $0x3;
	_ =	sdelay $0x1  }
0xf0: {  	(v2sf) =	vpush v0, $0x4;
	_ =	sdelay $0x1  }
0xf1: {  	(v2sf) =	vpush v0, $0x5;
	_ =	sdelay $0x1  }
0xf2: {  	(v2sf) =	vpush v0, $0x6;
	_ =	sdelay $0x1  }
0xf3: {  	(v2sf) =	vpush v0, $0x7;
	_ =	sdelay $0x1  }
0xf4: {  	s15 =	spop (v2sf);
	(v2sf) =	vpush v0, $0x8  }
0xf5: {  	s16 =	spop (v2sf)  }
0xf6: {  	(v2sf) =	vpush v0, $0x9;
	s8 =	sadd.f32 s16, s15  }
0xf7: {  	s17 =	spop (v2sf)  }
0xf8: {  	(v2sf) =	vpush v0, $0xA;
	s8 =	sadd.f32 s8, s17  }
0xf9: {  	s18 =	spop (v2sf)  }
0xfa: {  	(v2sf) =	vpush v0, $0xB;
	s8 =	sadd.f32 s8, s18  }
0xfb: {  	s19 =	spop (v2sf)  }
0xfc: {  	(v2sf) =	vpush v0, $0xC;
	s8 =	sadd.f32 s8, s19  }
0xfd: {  	s20 =	spop (v2sf)  }
0xfe: {  	(v2sf) =	vpush v0, $0xD;
	s8 =	sadd.f32 s8, s20  }
0xff: {  	s21 =	spop (v2sf)  }
0x100: {  	(v2sf) =	vpush v0, $0xE;
	s8 =	sadd.f32 s8, s21  }
0x101: {  	s22 =	spop (v2sf)  }
0x102: {  	(v2sf) =	vpush v0, $0xF;
	s8 =	sadd.f32 s8, s22  }
0x103: {  	s23 =	spop (v2sf)  }
0x104: {  	s8 =	sadd.f32 s8, s23  }
0x105: {  	s24 =	spop (v2sf)  }
0x106: {  	s8 =	sadd.f32 s8, s24  }
0x107: {  	s25 =	spop (v2sf)  }
0x108: {  	s8 =	sadd.f32 s8, s25  }
0x109: {  	s26 =	spop (v2sf)  }
0x10a: {  	s8 =	sadd.f32 s8, s26  }
0x10b: {  	s28 =	spop (v2sf)  }
0x10c: {  	s8 =	sadd.f32 s8, s28  }
0x10d: {  	s29 =	spop (v2sf)  }
0x10e: {  	s8 =	sadd.f32 s8, s29  }
0x10f: {  	s30 =	spop (v2sf)  }
0x110: {  	s8 =	sadd.f32 s8, s30  }
0x111: {  	s31 =	spop (v2sf)  }
0x112: {  	p0 =	sne.s32 s7, $0x1;
	s8 =	sadd.f32 s8, s31  }
.Ltmp2:
0x113: {  	_ = 	snop;
	(pc) =	sbr.rel @p0 .LBB2_2-.Ltmp2, $3  }
0x114: {  	s8 =	smul.f32 $1.666666750e-02, s8;
	_ =	sdelay $0x1  }
0x115: {  	v0 =	vmov s8  }
0x116: {  	s7 =	sadd.s32 $0xFFFFFFFF, s7;
	v0 =	vadd.f32 $0.0e+00, v0  }
.LBB2_3:
0x117: {  	_ = 	snop  }
0x118: {  	v0 =	vbroadcast v0, $0x0  }
0x119: {  	s4 =	rddreg [dreg:$0xe]  }
0x11a: {  	s5 =	rddreg [dreg:$0x5];
	[tilespmem:$0x250] =	vst v0  }
0x11b: {  	[hbm4b:s5+s2] =	stream.linear.scatter [tilespmem:s4], [sflag:$0x2], $0x10, $0x38;
	[tilespmem:$0x260] =	vst v63  }
0x11c: {  	_ =	swait.ge [sflag:s3], $0x10  }
0x11d: {  	[sflag:s3] =	ssyncset.done $0x0  }
0x11e: {  	[sflag:s3] =	ssyncadd.s32 $0xFFFFFFF0  }
.LBB2_4:
0x11f: {  	_ =	sfence.sel $0x180000  }
0x120: {  	[bflag:$0x0] =	sbarrier.arrive $0xFFFF  }
0x121: {  	p0 =	sne.s32 s1, $0x0;
	_ =	strace $0x9000004A  }
0x122: {  	s0 =	sadd.s32 @!p0 $0x100000, s0;
	[bflag:$0x2] =	sbarrier.arrive $0xFFFF  }
0x123: {  	[sflag:s0] =	ssyncadd.tile.s32 @!p0 $0x1;
	_ =	shalt  }
.Lfunc_end2:
_tile_overlayer_lowered:
.L_overlay_start_2:
0x124: {  	(tag) =	ssettag $0x2  }
0x125: {  	s0 =	rddreg [dreg:$0x0];
	s2 =	stileid.u32  }
0x126: {  	s1 =	rddreg [dreg:$0x1];
	p0 =	sne.s32 s2, $0x0  }
0x127: {  	s3 =	rddreg [dreg:$0x2];
	[bflag:$0x3] =	sbarrier.arrive $0xFFFF;
	s2 =	simm.s32 @!p0 $0x1C02  }
0x128: {  	[timem:s3], [sflag:s2] =	dma.local @!p0 [hbm:s0], s1  }
0x129: {  	s0 =	simm.s32 @!p0 $0x2  }
0x12a: {  	_ =	swait.ge @!p0 [sflag:s0], s1  }
0x12b: {  	s1 =	ssub.s32 @!p0 $0x0, s1;
	[sflag:s0] =	ssyncset.done @!p0 $0x0  }
0x12c: {  	[sflag:s0] =	ssyncadd.s32 @!p0 s1  }
0x12d: {  	[bflag:$0x3] =	sbarrier.arrive $0xFFFF  }
0x12e: {  	_ =	shalt  }

// kernel: sparse-core-data-format-call.cloned.1.call-start
scs
called_computation_lowered:
.L_overlay_start_0:
0x0: {  	s1 =	sld [smem:$0x3FD9]  }
0x1: {  	s2 =	sld [smem:$0x3FFE];
	_ =	sdelay $0x1  }
0x2: {  	s3 =	srdreg.scid  }
0x3: {  	s0 =	sand.u32 $0x1, s3  }
0x4: {  	s17 =	sshll.u32 s0, $0xA;
	s1 =	sadd.s32 s2, s1  }
0x5: {  	s1 =	sadd.s32 s1, s17  }
0x6: {  	[smem:$0x3FC3] =	sst s1  }
0x7: {  	_ = 	snop  }
0x8: {  	(tm) =	ssettm $0x1  }
0x9: {  	s18 =	sld [smem:$0x3FFB];
	_ =	sdelay $0x3  }
0xa: {  	_ =	strace s18  }
0xb: {  	s1 =	sld [smem:$0x3FFC];
	_ =	sdelay $0x3  }
0xc: {  	_ =	strace s1  }
0xd: {  	s1 =	sld [smem:$0x3FFD];
	_ =	sdelay $0x3  }
0xe: {  	_ =	strace s1  }
0xf: {  	_ =	strace $0x8FFFFFFF  }
0x10: {  	s19 =	sld [smem:$0x3FDB];
	_ =	sdelay $0x1  }
0x11: {  	s20 =	simm.s32 $_scs_section_size  }
0x12: {  	s4 =	simm.s32 $_size__tile_overlayer_lowered;
	s5 =	simm.s32 $_tile_overlayer_lowered  }
0x13: {  	s23 =	simm.s32 $0x1BFF;
	s22 =	sshll.u32 s5, $0x1;
	s1 =	sadd.s32 s20, s19  }
0x14: {  	s6 =	simm.s32 $0x0;
	s21 =	sshll.u32 s4, $0x1;
	s4 =	sadd.s32 s22, s1  }
0x15: {  	[timem:s6], [sflag:s23] =	dma.local [hbm:s4], s21  }
0x16: {  	_ =	swait.ge [sflag:s23], s21  }
0x17: {  	s2 =	ssub.s32 $0x0, s21;
	[sflag:s23] =	ssyncset.done $0x0  }
0x18: {  	[sflag:s23] =	ssyncadd.s32 s2;
	_ =	sdelay $0x1  }
0x19: {  	s24 =	simm.s32 $0x1B8B  }
0x1a: {  	_ =	swait.ge [sflag:s24], $0x1  }
0x1b: {  	[sflag:s24] =	ssyncset.done $0x0  }
0x1c: {  	s26 =	simm.s32 $0x1B8E;
	s25 =	sld [smem:$0x3FFE];
	[sflag:s24] =	ssyncadd.s32 $0xFFFFFFFF  }
0x1d: {  	s27 =	simm.s32 $execute0_lowered;
	[smem:$0x3FD2] =	sst s26  }
0x1e: {  	s4 =	sshll.u32 s27, $0x1;
	_ =	strace $0x80000046;
	[dreg:$0x1] =	wrdreg $0xFFFFFFFF  }
0x1f: {  	s28 =	simm.s32 $_size_execute0_lowered;
	s1 =	sadd.s32 s1, s4;
	[dreg:$0x0] =	wrdreg $0x0  }
0x20: {  	s4 =	sshll.u32 s28, $0x1;
	[dreg:$0x2] =	wrdreg s1  }
0x21: {  	[dreg:$0x3] =	wrdreg s4  }
0x22: {  	[dreg:$0x4] =	wrdreg $0xC0  }
0x23: {  	_ =	task [dreg:s6], $0x5FFFF  }
0x24: {  	[dreg:$0x1] =	wrdreg $0xFFFFFFFF  }
0x25: {  	[dreg:$0x0] =	wrdreg $0x60  }
0x26: {  	[dreg:$0x2] =	wrdreg s25  }
0x27: {  	[dreg:$0x3] =	wrdreg $0x9  }
0x28: {  	_ =	task.clear_ibuf [dreg:s6], $0x4FFFF;
	_ =	strace $0x90000046  }
0x29: {  	s29 =	simm.s32 $0x9;
	_ =	strace $0x80000048  }
0x2a: {  	_ =	swait.ge [sflag:s29], $0x1  }
0x2b: {  	[sflag:s29] =	ssyncadd.s32 $0xFFFFFFFF  }
0x2c: {  	_ =	strace $0x90000048  }
0x2d: {  	_ =	sfence  }
0x2e: {  	s30 =	sld [smem:$0x0];
	_ =	sdelay $0x2  }
0x2f: {  	s31 =	sshll.u32 s3, $0xD;
	s3 =	sshrl.u32 s3, $0x2  }
0x30: {  	s2 =	sand.u32 $0x4000, s31;
	s1 =	sadd.s32 s3, s30  }
0x31: {  	s0 =	sor.u32 s2, s0;
	s1 =	sshll.u32 s1, $0x11  }
0x32: {  	s0 =	sor.u32 s1, s0  }
0x33: {  	s0 =	sadd.s32 $0x8F2B, s0  }
0x34: {  	[sflag:s0] =	ssyncadd.remote.s32 $0x1  }
0x35: {  	_ =	sfence.sel $0xFFFF  }
0x36: {  	[dreg:$0x0] =	wrdreg $0xFFFFFFFF;
	(pc) =	sbr.abs _section_cstart, $3  }
0x37: {  	[dreg:$0x1] =	wrdreg $0xFFFFFFFF  }
0x38: {  	_ =	task.clear_ibuf [dreg:s6], $0x2FFFF;
	_ =	strace $0x9FFFFFFF  }
0x39: {  	(tm) =	ssettm $0x7FFFFFFF  }
tec
execute0_lowered:
.L_overlay_start_1:
0x0: {  	(tag) =	ssettag $0x1  }
0x1: {  	s0 =	srdreg.scid  }
0x2: {  	s6 =	rddreg [dreg:$0x0];
	s7 =	simm.s32 $0x1;
	s1 =	sshll.u32 s0, $0x4  }
0x3: {  	s8 =	simm.s32 $0x2;
	s0 =	stileid.u32;
	s1 =	sand.u32 $0x10, s1  }
0x4: {  	s13 =	simm.s32 $0x0;
	s12 =	simm.s32 $0x0;
	s1 =	sor.u32 s0, s1  }
0x5: {  	s10 =	simm.s32 $0x0;
	s3 =	sadd.s32 $0x24E200, s6;
	s2 =	sshll.u32 s1, $0x8  }
0x6: {  	s11 =	simm.s32 $0x0;
	s6 =	sadd.s32 $0x4BF200, s6;
	s5 =	ssub.s32 $0x4E200, s2  }
.Ltmp0:
0x7: {  	s1 =	rddreg [dreg:$0x1];
	s4 =	sand.u32 $0x1F00, s5;
	(pc) =	sbr.rel .LBB1_1-.Ltmp0, $4  }
0x8: {  	_ =	strace $0x80000047;
	s9 =	smov.u32 s2;
	p0 =	sne.s32 s4, $0x0  }
0x9: {  	s5 =	sshrl.u32 s5, $0xD;
	s4 =	simm.s32 $0x1;
	s7 =	simm.s32 @!p0 $0x0  }
0xa: {  	[sflag:s4] =	ssyncpa.u1 $0x0;
	p0 =	por $0x0, $0x0;
	s5 =	sadd.s32 s7, s5  }
0xb: {  	[sflag:s8] =	ssyncpa.u1 $0x0;
	s8 =	simm.s32 $0x80;
	s7 =	sadd.s32 $0x1, s5  }
.LBB1_4:
0xc: {  	_ =	sdelay $0x3  }
0xd: {  	s21 =	sor.u32 s24, s23;
	v47 =	vld.idx.msk [tilespmem:v0+s16+$0x470 ss:$0x1], $0xffff  }
0xe: {  	v57 =	vld.idx.msk [tilespmem:v0+s21+$0x410 ss:$0x1], $0xffff  }
0xf: {  	v58 =	vld.idx.msk [tilespmem:v0+s21+$0x420 ss:$0x1], $0xffff  }
0x10: {  	[tilespmem:s18+$0x1860 ss:$0x41] =	vst.msk $0xffff, v8;
	v59 =	vld.idx.msk [tilespmem:v0+s21+$0x430 ss:$0x1], $0xffff  }
0x11: {  	[tilespmem:s18+$0x1C70 ss:$0x41] =	vst.msk $0xffff, v7;
	v60 =	vld.idx.msk [tilespmem:v0+s21+$0x440 ss:$0x1], $0xffff  }
0x12: {  	[tilespmem:s18+$0x2490 ss:$0x41] =	vst.msk $0xffff, v1;
	s22 =	sand.u32 $0x3B00, s21;
	v61 =	vld.idx.msk [tilespmem:v0+s21+$0x450 ss:$0x1], $0xffff  }
0x13: {  	s20 =	sand.u32 $0x80, s20;
	[tilespmem:s18+$0x28A0 ss:$0x41] =	vst.msk $0xffff, v2;
	v62 =	vld.idx.msk [tilespmem:v0+s21+$0x460 ss:$0x1], $0xffff;
	s15 =	sadd.s32 s22, s15  }
0x14: {  	[tilespmem:s18+$0x2CB0 ss:$0x41] =	vst.msk $0xffff, v3;
	v63 =	vld.idx.msk [tilespmem:v0+s21+$0x470 ss:$0x1], $0xffff;
	s15 =	sadd.s32 s20, s15  }
0x15: {  	[tilespmem:s18+$0x30C0 ss:$0x41] =	vst.msk $0xffff, v4;
	v48 =	vld [tilespmem:s15+$0x400]  }
0x16: {  	[tilespmem:s18+$0x34D0 ss:$0x41] =	vst.msk $0xffff, v5;
	v49 =	vld [tilespmem:s15+$0x0]  }
0x17: {  	s25 =	sshra.s32 s19, $0x2;
	[tilespmem:s18+$0x38E0 ss:$0x41] =	vst.msk $0xffff, v6;
	v50 =	vld [tilespmem:s15+$0x10]  }
0x18: {  	s16 =	sadd.s32 s25, s17;
	v51 =	vld [tilespmem:s15+$0x20];
	[tilespmem:s18+$0x3CF0 ss:$0x41] =	vst.msk $0xffff, v47  }
0x19: {  	v52 =	vld [tilespmem:s15+$0x30];
	[tilespmem:s16+$0x2490 ss:$0x41] =	vst.msk $0xffff, v57  }
0x1a: {  	v53 =	vld [tilespmem:s15+$0x40];
	[tilespmem:s16+$0x28A0 ss:$0x41] =	vst.msk $0xffff, v58  }
0x1b: {  	v54 =	vld [tilespmem:s15+$0x50];
	[tilespmem:s16+$0x2CB0 ss:$0x41] =	vst.msk $0xffff, v59  }
0x1c: {  	s13 =	sshll.u32 s13, $0x7;
	s26 =	sshll.u32 s12, $0x3;
	v55 =	vld [tilespmem:s15+$0x60];
	[tilespmem:s16+$0x30C0 ss:$0x41] =	vst.msk $0xffff, v60  }
0x1d: {  	s27 =	sand.u32 $0xFFFFFC00, s13;
	v56 =	vld [tilespmem:s15+$0x70];
	s15 =	sand.u32 $0xFFFFFC00, s26;
	[tilespmem:s16+$0x34D0 ss:$0x41] =	vst.msk $0xffff, v61  }
0x1e: {  	s13 =	sand.u32 $0x380, s13;
	s15 =	sadd.s32 s15, s27;
	[tilespmem:s16+$0x38E0 ss:$0x41] =	vst.msk $0xffff, v62  }
0x1f: {  	s13 =	sor.u32 s13, s15;
	[tilespmem:s16+$0x3CF0 ss:$0x41] =	vst.msk $0xffff, v63  }
0x20: {  	s13 =	sshrl.u32 s13, $0x7;
	[tilespmem:s16+$0x2080 ss:$0x41] =	vst.msk $0xffff, v48  }
0x21: {  	s28 =	smulhi.u32 $0x1A36E2F, s13;
	[tilespmem:s16+$0x0 ss:$0x41] =	vst.msk $0xffff, v49  }
0x22: {  	[tilespmem:s16+$0x410 ss:$0x41] =	vst.msk $0xffff, v50  }
0x23: {  	[tilespmem:s16+$0x820 ss:$0x41] =	vst.msk $0xffff, v51;
	s15 =	sshrl.u32 s28, $0xB  }
0x24: {  	[tilespmem:s16+$0xC30 ss:$0x41] =	vst.msk $0xffff, v52;
	s15 =	smul.u32 $0x4E200, s15  }
0x25: {  	s29 =	sshrl.u32 s12, $0x3;
	[tilespmem:s16+$0x1040 ss:$0x41] =	vst.msk $0xffff, v53  }
0x26: {  	s31 =	sand.u32 $0x7, s12;
	s30 =	sand.u32 $0xF, s29;
	[tilespmem:s16+$0x1450 ss:$0x41] =	vst.msk $0xffff, v54;
	s13 =	ssub.s32 s13, s15  }
0x27: {  	s12 =	sshll.u32 s31, $0x12;
	[tilespmem:s16+$0x1860 ss:$0x41] =	vst.msk $0xffff, v55;
	s15 =	sadd.s32 s6, s30;
	s13 =	sshll.u32 s13, $0x4  }
0x28: {  	s12 =	sor.u32 $0x40, s12;
	[tilespmem:s16+$0x1C70 ss:$0x41] =	vst.msk $0xffff, v56;
	s13 =	sadd.s32 s13, s15  }
0x29: {  	[hbm4b:s13+s12] =	stream.strided.scatter [tilespmem:s14], [sflag:$0x2], $0x4000, s8, s12, $0x18;
	[tilespmem:$0x10200] =	vst v63  }
.LBB1_5:
0x2a: {  	s14 =	sadd.s32 $0x2000, s9  }
0x2b: {  	s12 =	sadd.s32 $0x40, s10;
	s16 =	smov.u32 s10;
	p2 =	sgt.s32 s14, $0x4E1FF  }
0x2c: {  	s16 =	smov.u32 @p2 s12  }
0x2d: {  	s14 =	smov.u32 @p2 s2;
	p2 =	sgt.s32 s16, $0x3B  }
0x2e: {  	s16 =	simm.s32 @p2 $0x0;
	p2 =	sne.s32 s11, s7  }
.Ltmp1:
0x2f: {  	p1 =	slt.u32 s11, $0x2;
	(pc) =	sbr.rel @!p2 .LBB1_6-.Ltmp1, $4  }
0x30: {  	s15 =	simm.s32 @!p1 $0x2  }
0x31: {  	s13 =	smov.u32 s9;
	p0 =	por !p0, !p0;
	_ =	swait.ge @!p1 [sflag:s15], $0x4000  }
0x32: {  	s12 =	smov.u32 s10;
	[sflag:s15] =	ssyncset.done @!p1 $0x0;
	s9 =	smov.u32 s14  }
0x33: {  	s11 =	sadd.s32 $0x1, s11;
	[sflag:s15] =	ssyncadd.s32 @!p1 $0xFFFFC000;
	s10 =	smov.u32 s16  }
.LBB1_1:
0x34: {  	p1 =	sge.u32 s11, s5  }
0x35: {  	s14 =	sshrl.u32 @!p1 s10, $0x3  }
0x36: {  	s15 =	sshll.u32 @!p1 s9, $0x3;
	s14 =	smul.u32 @!p1 $0x271000, s14  }
0x37: {  	s16 =	sshll.u32 @!p1 s10, $0x7;
	s15 =	sand.u32 @!p1 $0xFFFFFC00, s15  }
0x38: {  	s14 =	sadd.s32 @!p1 s14, s15;
	s15 =	sand.u32 @!p1 $0x380, s16  }
0x39: {  	s16 =	sand.u32 @!p1 $0x7F, s9;
	s14 =	sor.u32 @!p1 s15, s14  }
0x3a: {  	s15 =	sor.u32 @!p1 s16, s14  }
0x3b: {  	s16 =	smulhi.u32 @!p1 $0xD1B71759, s15;
	_ =	sdelay $0x1  }
0x3c: {  	s14 =	smulhi.u32 @!p1 $0xD1B71759, s14;
	s16 =	sshrl.u32 @!p1 s16, $0x12  }
0x3d: {  	s16 =	smul.u32 @!p1 $0x4E200, s16  }
0x3e: {  	s31 =	sadd.s32 $0xFFFFFFFF, s11;
	s17 =	sxor.u32 @!p1 $0xFFFFFFFF, s11;
	s14 =	sshrl.u32 @!p1 s14, $0x12  }
0x3f: {  	s17 =	sshll.u32 @!p1 s17, $0xE;
	s14 =	sand.u32 @!p1 $0x3F, s14;
	s15 =	ssub.s32 @!p1 s15, s16  }
0x40: {  	s14 =	smul.u32 @!p1 $0x9C40, s14;
	s16 =	sshrl.u32 @!p1 s15, $0x3;
	s15 =	sand.u32 @!p1 $0x7, s15  }
0x41: {  	s17 =	sand.u32 @!p1 $0x4000, s17;
	s16 =	sadd.s32 @!p1 s3, s16;
	s15 =	sshll.u32 @!p1 s15, $0x12  }
0x42: {  	s14 =	sadd.s32 @!p1 s14, s16;
	s15 =	sor.u32 @!p1 $0x800, s15;
	s16 =	simm.s32 @!p1 $0x271000  }
0x43: {  	[tilespmem:s17], [sflag:$0x1] =	stream.strided.gather @!p1 [hbm4b:s14+s15], $0x4000, s16, s15, $0x38;
	[tilespmem:$0x10200] =	vst v63  }
0x44: {  	p1 =	sge.u32 s31, s5  }
.Ltmp2:
0x45: {  	_ = 	snop;
	(pc) =	sbr.rel @p1 .LBB1_5-.Ltmp2, $1  }
0x46: {  	_ =	sdelay $0x3  }
0x47: {  	s17 =	simm.s32 $0x0  }
0x48: {  	s16 =	sand.u32 $0x3800, s17;
	s18 =	sand.u32 $0x380, s17  }
0x49: {  	s14 =	sand.u32 $0x1, s11;
	s16 =	sor.u32 s18, s16  }
0x4a: {  	_ =	swait.ge [sflag:s4], $0x4000;
	s15 =	sshll.u32 s14, $0xE;
	s18 =	sand.u32 $0x3B00, s16  }
0x4b: {  	[sflag:s4] =	ssyncset.done $0x0;
	s17 =	sand.u32 $0x80, s17;
	s18 =	sadd.s32 s18, s15  }
0x4c: {  	[sflag:s4] =	ssyncadd.s32 $0xFFFFC000;
	s20 =	sadd.s32 s17, s18  }
0x4d: {  	v4 =	vld [tilespmem:s20+$0x400]  }
0x4e: {  	s19 =	simm.s32 $0x1;
	v5 =	vld [tilespmem:s20+$0x0]  }
0x4f: {  	s19 =	simm.s32 @!p0 $0x0;
	v6 =	vld [tilespmem:s20+$0x10]  }
0x50: {  	v0 =	vmov s15;
	s31 =	smul.u32 $0x10400, s19;
	v7 =	vld [tilespmem:s20+$0x20]  }
0x51: {  	v9 =	vld [tilespmem:s20+$0x30]  }
0x52: {  	s17 =	sshrl.u32 s31, $0x2;
	v10 =	vld [tilespmem:s20+$0x40]  }
0x53: {  	s17 =	sor.u32 $0x8000, s17;
	v11 =	vld [tilespmem:s20+$0x50]  }
0x54: {  	v8 =	vld [tilespmem:s20+$0x60];
	s18 =	sadd.s32 $0x0, s17  }
0x55: {  	v1 =	vld.idx.msk [tilespmem:v0+s16+$0x410 ss:$0x1], $0xffff;
	[tilespmem:s18+$0x2080 ss:$0x41] =	vst.msk $0xffff, v4  }
0x56: {  	v2 =	vld.idx.msk [tilespmem:v0+s16+$0x420 ss:$0x1], $0xffff;
	[tilespmem:s18+$0x0 ss:$0x41] =	vst.msk $0xffff, v5  }
0x57: {  	v3 =	vld.idx.msk [tilespmem:v0+s16+$0x430 ss:$0x1], $0xffff;
	[tilespmem:s18+$0x410 ss:$0x41] =	vst.msk $0xffff, v6  }
0x58: {  	s14 =	smul.u32 $0x10400, s14;
	[tilespmem:s18+$0x820 ss:$0x41] =	vst.msk $0xffff, v7;
	v7 =	vld [tilespmem:s20+$0x70]  }
0x59: {  	s21 =	simm.s32 $0x100;
	s22 =	simm.s32 $0x8;
	[tilespmem:s18+$0xC30 ss:$0x41] =	vst.msk $0xffff, v9;
	v4 =	vld.idx.msk [tilespmem:v0+s16+$0x440 ss:$0x1], $0xffff  }
0x5a: {  	s23 =	sand.u32 $0x3800, s21;
	s14 =	sshrl.u32 s14, $0x2;
	[tilespmem:s18+$0x1040 ss:$0x41] =	vst.msk $0xffff, v10;
	v5 =	vld.idx.msk [tilespmem:v0+s16+$0x450 ss:$0x1], $0xffff;
	s20 =	simm.s32 $0x80  }
0x5b: {  	s19 =	simm.s32 $0x4;
	s14 =	sor.u32 $0x8000, s14;
	[tilespmem:s18+$0x1450 ss:$0x41] =	vst.msk $0xffff, v11;
	v6 =	vld.idx.msk [tilespmem:v0+s16+$0x460 ss:$0x1], $0xffff;
	s24 =	sand.u32 $0x380, s20  }
.LBB1_3:
0x5c: {  	p1 =	sne.s32 s22, $0xFC;
	[tilespmem:s18+$0x1860 ss:$0x41] =	vst.msk $0xffff, v8;
	v8 =	vld.idx.msk [tilespmem:v0+s16+$0x470 ss:$0x1], $0xffff;
	s16 =	sor.u32 s24, s23  }
0x5d: {  	s23 =	sand.u32 $0x3B00, s16;
	v9 =	vld.idx.msk [tilespmem:v0+s16+$0x410 ss:$0x1], $0xffff;
	[tilespmem:s18+$0x1C70 ss:$0x41] =	vst.msk $0xffff, v7  }
0x5e: {  	s24 =	sand.u32 $0x80, s20;
	s23 =	sadd.s32 s23, s15;
	v7 =	vld.idx.msk [tilespmem:v0+s16+$0x420 ss:$0x1], $0xffff;
	[tilespmem:s18+$0x2490 ss:$0x41] =	vst.msk $0xffff, v1  }
0x5f: {  	s23 =	sadd.s32 s24, s23;
	v10 =	vld.idx.msk [tilespmem:v0+s16+$0x430 ss:$0x1], $0xffff;
	[tilespmem:s18+$0x28A0 ss:$0x41] =	vst.msk $0xffff, v2  }
0x60: {  	v11 =	vld [tilespmem:s23+$0x400];
	[tilespmem:s18+$0x2CB0 ss:$0x41] =	vst.msk $0xffff, v3  }
0x61: {  	v12 =	vld [tilespmem:s23+$0x0];
	[tilespmem:s18+$0x30C0 ss:$0x41] =	vst.msk $0xffff, v4  }
0x62: {  	v4 =	vld [tilespmem:s23+$0x10];
	[tilespmem:s18+$0x34D0 ss:$0x41] =	vst.msk $0xffff, v5  }
0x63: {  	s24 =	sshra.s32 s19, $0x2;
	s19 =	smov.u32 s22;
	v1 =	vmov v9;
	v5 =	vld [tilespmem:s23+$0x20];
	[tilespmem:s18+$0x38E0 ss:$0x41] =	vst.msk $0xffff, v6  }
0x64: {  	v2 =	vmov v7;
	v6 =	vld [tilespmem:s23+$0x30];
	[tilespmem:s18+$0x3CF0 ss:$0x41] =	vst.msk $0xffff, v8;
	s18 =	sadd.s32 s24, s17  }
0x65: {  	v3 =	vmov v10;
	v9 =	vld [tilespmem:s23+$0x40];
	[tilespmem:s18+$0x2080 ss:$0x41] =	vst.msk $0xffff, v11  }
0x66: {  	[tilespmem:s18+$0x0 ss:$0x41] =	vst.msk $0xffff, v12;
	v10 =	vld [tilespmem:s23+$0x50]  }
.Ltmp3:
0x67: {  	[tilespmem:s18+$0x410 ss:$0x41] =	vst.msk $0xffff, v4;
	v8 =	vld [tilespmem:s23+$0x60];
	(pc) =	sbr.rel @p1 .LBB1_3-.Ltmp3, $4  }
0x68: {  	[tilespmem:s18+$0x820 ss:$0x41] =	vst.msk $0xffff, v5;
	v7 =	vld [tilespmem:s23+$0x70]  }
0x69: {  	[tilespmem:s18+$0xC30 ss:$0x41] =	vst.msk $0xffff, v6;
	v4 =	vld.idx.msk [tilespmem:v0+s16+$0x440 ss:$0x1], $0xffff  }
0x6a: {  	s20 =	sadd.s32 $0x80, s20;
	s21 =	sadd.s32 $0x100, s21;
	[tilespmem:s18+$0x1040 ss:$0x41] =	vst.msk $0xffff, v9;
	v5 =	vld.idx.msk [tilespmem:v0+s16+$0x450 ss:$0x1], $0xffff  }
0x6b: {  	s22 =	sadd.s32 $0x4, s22;
	s24 =	sand.u32 $0x380, s20;
	s23 =	sand.u32 $0x3800, s21;
	[tilespmem:s18+$0x1450 ss:$0x41] =	vst.msk $0xffff, v10;
	v6 =	vld.idx.msk [tilespmem:v0+s16+$0x460 ss:$0x1], $0xffff  }
.Ltmp4:
0x6c: {  	_ = 	snop;
	(pc) =	sbr.rel .LBB1_4-.Ltmp4, $1  }
0x6d: {  	_ =	sdelay $0x3  }
.LBB1_6:
0x6e: {  	_ =	sfence.sel $0x180000  }
0x6f: {  	s2 =	simm.s32 $0x1;
	[bflag:$0x0] =	sbarrier.arrive $0xFFFF  }
0x70: {  	s31 =	simm.s32 $0x2;
	[sflag:s2] =	ssyncpa.u1 $0x1  }
0x71: {  	[sflag:s31] =	ssyncpa.u1 $0x1  }
0x72: {  	p0 =	sne.s32 s0, $0x0;
	_ =	strace $0x90000047  }
0x73: {  	s0 =	sadd.s32 @!p0 $0x100000, s1;
	[bflag:$0x2] =	sbarrier.arrive $0xFFFF  }
0x74: {  	[sflag:s0] =	ssyncadd.tile.s32 @!p0 $0x1;
	_ =	shalt  }
.Lfunc_end1:
_tile_overlayer_lowered:
.L_overlay_start_2:
0x75: {  	(tag) =	ssettag $0x2  }
0x76: {  	s0 =	rddreg [dreg:$0x0];
	s2 =	stileid.u32  }
0x77: {  	s1 =	rddreg [dreg:$0x1];
	p0 =	sne.s32 s2, $0x0  }
0x78: {  	s3 =	rddreg [dreg:$0x2];
	[bflag:$0x3] =	sbarrier.arrive $0xFFFF;
	s2 =	simm.s32 @!p0 $0x1C01  }
0x79: {  	[timem:s3], [sflag:s2] =	dma.local @!p0 [hbm:s0], s1  }
0x7a: {  	s0 =	simm.s32 @!p0 $0x1  }
0x7b: {  	_ =	swait.ge @!p0 [sflag:s0], s1  }
0x7c: {  	s1 =	ssub.s32 @!p0 $0x0, s1;
	[sflag:s0] =	ssyncset.done @!p0 $0x0  }
0x7d: {  	[sflag:s0] =	ssyncadd.s32 @!p0 s1  }
0x7e: {  	[bflag:$0x3] =	sbarrier.arrive $0xFFFF  }
0x7f: {  	_ =	shalt  }

</sc_bundles>
